<compile_context>
chip_gen: v7x
topology: tpu7x:2x2x1
jax: 0.10.2.dev20260603
libtpu: 0.0.44.dev20260713+nightly
codegen_flags: <defaults>
</compile_context>

<pallas_src>
import functools

import jax
import jax.numpy as jnp
from jax import lax
from jax.experimental import pallas as pl
from jax.experimental.pallas import tpu as pltpu
from jax.experimental.pallas import tpu_sc as plsc

D_MODEL = 1024
BATCH = 4
SEQ = 2048
B_TOTAL = BATCH * SEQ
NUM_CORES = 2
NUM_SUBCORES = 16
NW = NUM_CORES * NUM_SUBCORES
B_PER_W = B_TOTAL // NW
CHUNK = 16
NCHUNK = B_PER_W // CHUNK
DEPTH = 4

_mesh = plsc.VectorSubcoreMesh(core_axis_name="c", subcore_axis_name="s")


@functools.partial(
    pl.kernel,
    mesh=_mesh,
    out_type=jax.ShapeDtypeStruct((B_TOTAL, D_MODEL), jnp.float32),
    scratch_types=(
        [pltpu.VMEM((NCHUNK, CHUNK), jnp.int32)]
        + [pltpu.VMEM((CHUNK, D_MODEL), jnp.float32)] * DEPTH
        + [pltpu.SemaphoreType.DMA] * (2 * DEPTH)
    ),
)
def _emb_gather(tok_hbm, wte_hbm, out_hbm, idx_v, *scratch):
    bufs = scratch[:DEPTH]
    gsems = scratch[DEPTH:2 * DEPTH]
    osems = scratch[2 * DEPTH:]
    wid = lax.axis_index("s") * NUM_CORES + lax.axis_index("c")
    base = wid * B_PER_W
    pltpu.sync_copy(tok_hbm.at[wid], idx_v)

    def start_gather(c):
        b = c % DEPTH
        return pltpu.async_copy(wte_hbm.at[idx_v.at[c]], bufs[b], gsems[b])

    def start_out(c):
        b = c % DEPTH
        return pltpu.async_copy(
            bufs[b], out_hbm.at[pl.ds(base + c * CHUNK, CHUNK)], osems[b])

    start_gather(0).wait()
    outs = []
    for c in range(NCHUNK):
        outs.append(start_out(c))
    for o in outs:
        o.wait()


def kernel(tokens, wte):
    tok = tokens.reshape(NW, NCHUNK, CHUNK)
    out = _emb_gather(tok, wte)
    return out.reshape(BATCH, SEQ, D_MODEL)

# --- scband reference (transcript-rebuilt; emitter-appended) ---
"""Pipeline reference for scband-soft-embv2-69930657514066 (READ-ONLY COPY).

The authoritative reference and input builder live on the scoring server;
editing this copy changes nothing except your own understanding.
"""

import jax, jax.numpy as jnp
import numpy as np

VOCAB = 100000
N_DATASETS = 1
N_TOKENS = 10
D_MODEL = 1024
BATCH = 4
SEQ = 2048


def setup_inputs(seed: int = 0) -> dict:
    key = jax.random.key(seed)
    k_tok, k_wte = jax.random.split(key)
    # tokens index into the *extended* embedding table (old vocab + prompt tokens)
    total_rows = VOCAB + N_DATASETS * N_TOKENS
    tokens = jax.random.randint(k_tok, (BATCH, SEQ), 0, VOCAB, dtype=jnp.int32)
    # extended embedding table (new_embeddings in SoftEmbv2): old wte rows copied in,
    # prompt rows initialized uniform*0.5 -- here materialized as one table
    wte = jax.random.normal(k_wte, (total_rows, D_MODEL), dtype=jnp.float32) * 0.02
    return {"tokens": tokens, "wte": wte}


def reference(tokens, wte):
    # SoftEmbv2.forward with self.x is None (the default state after __init__):
    #   return self.wte(tokens)  -> plain embedding gather on the extended table
    return jnp.take(wte, tokens, axis=0)

if __name__ == "__main__":
    import jax
    _d = setup_inputs()
    print(jax.jit(kernel)(*tuple(_d.values())))

</pallas_src>

<mosaic_0001>
#map = affine_map<(d0, d1) -> (0, 0, 0)>
#map1 = affine_map<(d0, d1) -> (0, 0)>
module attributes {stable_mosaic.version = 14 : i64} {
  func.func @_emb_gather(%arg0: i32, %arg1: i32, %arg2: memref<32x16x16xi32, #tpu.memory_space<hbm>>, %arg3: memref<100010x1024xf32, #tpu.memory_space<hbm>>, %arg4: memref<8192x1024xf32, #tpu.memory_space<hbm>>, %arg5: memref<16x16xi32, #tpu.memory_space<vmem>>, %arg6: memref<16x1024xf32, #tpu.memory_space<vmem>>, %arg7: memref<16x1024xf32, #tpu.memory_space<vmem>>, %arg8: memref<16x1024xf32, #tpu.memory_space<vmem>>, %arg9: memref<16x1024xf32, #tpu.memory_space<vmem>>, %arg10: memref<!tpu.dma_semaphore, #tpu.memory_space<semaphore_mem>>, %arg11: memref<!tpu.dma_semaphore, #tpu.memory_space<semaphore_mem>>, %arg12: memref<!tpu.dma_semaphore, #tpu.memory_space<semaphore_mem>>, %arg13: memref<!tpu.dma_semaphore, #tpu.memory_space<semaphore_mem>>, %arg14: memref<!tpu.dma_semaphore, #tpu.memory_space<semaphore_mem>>, %arg15: memref<!tpu.dma_semaphore, #tpu.memory_space<semaphore_mem>>, %arg16: memref<!tpu.dma_semaphore, #tpu.memory_space<semaphore_mem>>, %arg17: memref<!tpu.dma_semaphore, #tpu.memory_space<semaphore_mem>>) attributes {dimension_semantics = [#tpu.dimension_semantics<core_parallel>, #tpu.dimension_semantics<subcore_parallel>], iteration_bounds = array<i64: 2, 16>, scalar_prefetch = 0 : i64, scratch_operands = 13 : i64, tpu.core_type = #tpu.core_type<sc_vector_subcore>, window_params = [{transform_indices = #map}, {transform_indices = #map1}, {transform_indices = #map1}]} {
    %mul3A = arith.constant 2 : i32
    %mul3A_0 = arith.muli %arg1, %mul3A : i32
    %add3A = arith.addi %mul3A_0, %arg0 : i32
    %mul3A_1 = arith.constant 256 : i32
    %mul3A_2 = arith.muli %add3A, %mul3A_1 : i32
    "tpu.region"() ({
      %run_scoped3A = tpu.sem_alloc : memref<!tpu.dma_semaphore, #tpu.memory_space<semaphore_mem>>
      %dma_start3A_175 = arith.constant 0 : i32
      %dma_start3A_176 = arith.constant 0 : i32
      %dma_start3A_177 = tpu.memref_slice %arg2[%add3A, %dma_start3A_175, %dma_start3A_176] : memref<32x16x16xi32, #tpu.memory_space<hbm>> -> memref<1x16x16xi32, #tpu.memory_space<hbm>>
      %dma_start3A_178 = tpu.memref_squeeze %dma_start3A_177 : memref<1x16x16xi32, #tpu.memory_space<hbm>> -> memref<16x16xi32, #tpu.memory_space<hbm>>
      %dma_start3A_179 = arith.constant 0 : i32
      %dma_start3A_180 = arith.constant 0 : i32
      %dma_start3A_181 = tpu.memref_slice %arg2[%add3A, %dma_start3A_179, %dma_start3A_180] : memref<32x16x16xi32, #tpu.memory_space<hbm>> -> memref<1x16x16xi32, #tpu.memory_space<hbm>>
      %dma_start3A_182 = tpu.memref_squeeze %dma_start3A_181 : memref<1x16x16xi32, #tpu.memory_space<hbm>> -> memref<16x16xi32, #tpu.memory_space<hbm>>
      tpu.enqueue_dma source(%dma_start3A_182 : memref<16x16xi32, #tpu.memory_space<hbm>>) target(%arg5 : memref<16x16xi32, #tpu.memory_space<vmem>>) target_semaphore(%run_scoped3A : memref<!tpu.dma_semaphore, #tpu.memory_space<semaphore_mem>>)
      %dma_wait3A_183 = arith.constant 0 : i32
      %dma_wait3A_184 = arith.constant 0 : i32
      %dma_wait3A_185 = tpu.memref_slice %arg2[%add3A, %dma_wait3A_183, %dma_wait3A_184] : memref<32x16x16xi32, #tpu.memory_space<hbm>> -> memref<1x16x16xi32, #tpu.memory_space<hbm>>
      %dma_wait3A_186 = tpu.memref_squeeze %dma_wait3A_185 : memref<1x16x16xi32, #tpu.memory_space<hbm>> -> memref<16x16xi32, #tpu.memory_space<hbm>>
      %dma_wait3A_187 = arith.constant 0 : i32
      %dma_wait3A_188 = arith.constant 0 : i32
      %dma_wait3A_189 = tpu.memref_slice %arg2[%add3A, %dma_wait3A_187, %dma_wait3A_188] : memref<32x16x16xi32, #tpu.memory_space<hbm>> -> memref<1x16x16xi32, #tpu.memory_space<hbm>>
      %dma_wait3A_190 = tpu.memref_squeeze %dma_wait3A_189 : memref<1x16x16xi32, #tpu.memory_space<hbm>> -> memref<16x16xi32, #tpu.memory_space<hbm>>
      tpu.wait_dma2 semaphore(%run_scoped3A : memref<!tpu.dma_semaphore, #tpu.memory_space<semaphore_mem>>) src(%dma_wait3A_190 : memref<16x16xi32, #tpu.memory_space<hbm>>) dst(%arg5 : memref<16x16xi32, #tpu.memory_space<vmem>>)
      tpu.yield
    }) : () -> ()
    %dma_start3A = arith.constant 0 : i32
    %dma_start3A_3 = arith.constant 0 : i32
    %dma_start3A_4 = tpu.memref_slice %arg5[%dma_start3A, %dma_start3A_3] : memref<16x16xi32, #tpu.memory_space<vmem>> -> memref<1x16xi32, #tpu.memory_space<vmem>>
    %dma_start3A_5 = tpu.memref_squeeze %dma_start3A_4 : memref<1x16xi32, #tpu.memory_space<vmem>> -> memref<16xi32, #tpu.memory_space<vmem>>
    %dma_start3A_6 = arith.constant 0 : i32
    %dma_start3A_7 = arith.constant 0 : i32
    %dma_start3A_8 = tpu.memref_slice %arg3[%dma_start3A_6, %dma_start3A_7] : memref<100010x1024xf32, #tpu.memory_space<hbm>> -> memref<100010x1024xf32, #tpu.memory_space<hbm>>
    tpu.enqueue_indirect_dma source(%dma_start3A_8 : memref<100010x1024xf32, #tpu.memory_space<hbm>>) target(%arg6 : memref<16x1024xf32, #tpu.memory_space<vmem>>) offsets(%dma_start3A_5 : memref<16xi32, #tpu.memory_space<vmem>>) semaphore(%arg10 : memref<!tpu.dma_semaphore, #tpu.memory_space<semaphore_mem>>)
    %dma_wait3A = arith.constant 0 : i32
    %dma_wait3A_9 = arith.constant 0 : i32
    %dma_wait3A_10 = tpu.memref_slice %arg5[%dma_wait3A, %dma_wait3A_9] : memref<16x16xi32, #tpu.memory_space<vmem>> -> memref<1x16xi32, #tpu.memory_space<vmem>>
    %dma_wait3A_11 = tpu.memref_squeeze %dma_wait3A_10 : memref<1x16xi32, #tpu.memory_space<vmem>> -> memref<16xi32, #tpu.memory_space<vmem>>
    %dma_wait3A_12 = arith.constant 0 : i32
    %dma_wait3A_13 = arith.constant 0 : i32
    %dma_wait3A_14 = tpu.memref_slice %arg3[%dma_wait3A_12, %dma_wait3A_13] : memref<100010x1024xf32, #tpu.memory_space<hbm>> -> memref<100010x1024xf32, #tpu.memory_space<hbm>>
    tpu.wait_indirect_dma semaphore(%arg10 : memref<!tpu.dma_semaphore, #tpu.memory_space<semaphore_mem>>) src(%dma_wait3A_14 : memref<100010x1024xf32, #tpu.memory_space<hbm>>) dst(%arg6 : memref<16x1024xf32, #tpu.memory_space<vmem>>)
    %add3A_15 = arith.constant 0 : i32
    %add3A_16 = arith.addi %mul3A_2, %add3A_15 : i32
    %dma_start3A_17 = arith.constant 0 : i32
    %dma_start3A_18 = tpu.memref_slice %arg4[%add3A_16, %dma_start3A_17] : memref<8192x1024xf32, #tpu.memory_space<hbm>> -> memref<16x1024xf32, #tpu.memory_space<hbm>>
    %dma_start3A_19 = arith.constant 0 : i32
    %dma_start3A_20 = tpu.memref_slice %arg4[%add3A_16, %dma_start3A_19] : memref<8192x1024xf32, #tpu.memory_space<hbm>> -> memref<16x1024xf32, #tpu.memory_space<hbm>>
    tpu.enqueue_dma source(%arg6 : memref<16x1024xf32, #tpu.memory_space<vmem>>) target(%dma_start3A_20 : memref<16x1024xf32, #tpu.memory_space<hbm>>) target_semaphore(%arg14 : memref<!tpu.dma_semaphore, #tpu.memory_space<semaphore_mem>>)
    %add3A_21 = arith.constant 16 : i32
    %add3A_22 = arith.addi %mul3A_2, %add3A_21 : i32
    %dma_start3A_23 = arith.constant 0 : i32
    %dma_start3A_24 = tpu.memref_slice %arg4[%add3A_22, %dma_start3A_23] : memref<8192x1024xf32, #tpu.memory_space<hbm>> -> memref<16x1024xf32, #tpu.memory_space<hbm>>
    %dma_start3A_25 = arith.constant 0 : i32
    %dma_start3A_26 = tpu.memref_slice %arg4[%add3A_22, %dma_start3A_25] : memref<8192x1024xf32, #tpu.memory_space<hbm>> -> memref<16x1024xf32, #tpu.memory_space<hbm>>
    tpu.enqueue_dma source(%arg7 : memref<16x1024xf32, #tpu.memory_space<vmem>>) target(%dma_start3A_26 : memref<16x1024xf32, #tpu.memory_space<hbm>>) target_semaphore(%arg15 : memref<!tpu.dma_semaphore, #tpu.memory_space<semaphore_mem>>)
    %add3A_27 = arith.constant 32 : i32
    %add3A_28 = arith.addi %mul3A_2, %add3A_27 : i32
    %dma_start3A_29 = arith.constant 0 : i32
    %dma_start3A_30 = tpu.memref_slice %arg4[%add3A_28, %dma_start3A_29] : memref<8192x1024xf32, #tpu.memory_space<hbm>> -> memref<16x1024xf32, #tpu.memory_space<hbm>>
    %dma_start3A_31 = arith.constant 0 : i32
    %dma_start3A_32 = tpu.memref_slice %arg4[%add3A_28, %dma_start3A_31] : memref<8192x1024xf32, #tpu.memory_space<hbm>> -> memref<16x1024xf32, #tpu.memory_space<hbm>>
    tpu.enqueue_dma source(%arg8 : memref<16x1024xf32, #tpu.memory_space<vmem>>) target(%dma_start3A_32 : memref<16x1024xf32, #tpu.memory_space<hbm>>) target_semaphore(%arg16 : memref<!tpu.dma_semaphore, #tpu.memory_space<semaphore_mem>>)
    %add3A_33 = arith.constant 48 : i32
    %add3A_34 = arith.addi %mul3A_2, %add3A_33 : i32
    %dma_start3A_35 = arith.constant 0 : i32
    %dma_start3A_36 = tpu.memref_slice %arg4[%add3A_34, %dma_start3A_35] : memref<8192x1024xf32, #tpu.memory_space<hbm>> -> memref<16x1024xf32, #tpu.memory_space<hbm>>
    %dma_start3A_37 = arith.constant 0 : i32
    %dma_start3A_38 = tpu.memref_slice %arg4[%add3A_34, %dma_start3A_37] : memref<8192x1024xf32, #tpu.memory_space<hbm>> -> memref<16x1024xf32, #tpu.memory_space<hbm>>
    tpu.enqueue_dma source(%arg9 : memref<16x1024xf32, #tpu.memory_space<vmem>>) target(%dma_start3A_38 : memref<16x1024xf32, #tpu.memory_space<hbm>>) target_semaphore(%arg17 : memref<!tpu.dma_semaphore, #tpu.memory_space<semaphore_mem>>)
    %add3A_39 = arith.constant 64 : i32
    %add3A_40 = arith.addi %mul3A_2, %add3A_39 : i32
    %dma_start3A_41 = arith.constant 0 : i32
    %dma_start3A_42 = tpu.memref_slice %arg4[%add3A_40, %dma_start3A_41] : memref<8192x1024xf32, #tpu.memory_space<hbm>> -> memref<16x1024xf32, #tpu.memory_space<hbm>>
    %dma_start3A_43 = arith.constant 0 : i32
    %dma_start3A_44 = tpu.memref_slice %arg4[%add3A_40, %dma_start3A_43] : memref<8192x1024xf32, #tpu.memory_space<hbm>> -> memref<16x1024xf32, #tpu.memory_space<hbm>>
    tpu.enqueue_dma source(%arg6 : memref<16x1024xf32, #tpu.memory_space<vmem>>) target(%dma_start3A_44 : memref<16x1024xf32, #tpu.memory_space<hbm>>) target_semaphore(%arg14 : memref<!tpu.dma_semaphore, #tpu.memory_space<semaphore_mem>>)
    %add3A_45 = arith.constant 80 : i32
    %add3A_46 = arith.addi %mul3A_2, %add3A_45 : i32
    %dma_start3A_47 = arith.constant 0 : i32
    %dma_start3A_48 = tpu.memref_slice %arg4[%add3A_46, %dma_start3A_47] : memref<8192x1024xf32, #tpu.memory_space<hbm>> -> memref<16x1024xf32, #tpu.memory_space<hbm>>
    %dma_start3A_49 = arith.constant 0 : i32
    %dma_start3A_50 = tpu.memref_slice %arg4[%add3A_46, %dma_start3A_49] : memref<8192x1024xf32, #tpu.memory_space<hbm>> -> memref<16x1024xf32, #tpu.memory_space<hbm>>
    tpu.enqueue_dma source(%arg7 : memref<16x1024xf32, #tpu.memory_space<vmem>>) target(%dma_start3A_50 : memref<16x1024xf32, #tpu.memory_space<hbm>>) target_semaphore(%arg15 : memref<!tpu.dma_semaphore, #tpu.memory_space<semaphore_mem>>)
    %add3A_51 = arith.constant 96 : i32
    %add3A_52 = arith.addi %mul3A_2, %add3A_51 : i32
    %dma_start3A_53 = arith.constant 0 : i32
    %dma_start3A_54 = tpu.memref_slice %arg4[%add3A_52, %dma_start3A_53] : memref<8192x1024xf32, #tpu.memory_space<hbm>> -> memref<16x1024xf32, #tpu.memory_space<hbm>>
    %dma_start3A_55 = arith.constant 0 : i32
    %dma_start3A_56 = tpu.memref_slice %arg4[%add3A_52, %dma_start3A_55] : memref<8192x1024xf32, #tpu.memory_space<hbm>> -> memref<16x1024xf32, #tpu.memory_space<hbm>>
    tpu.enqueue_dma source(%arg8 : memref<16x1024xf32, #tpu.memory_space<vmem>>) target(%dma_start3A_56 : memref<16x1024xf32, #tpu.memory_space<hbm>>) target_semaphore(%arg16 : memref<!tpu.dma_semaphore, #tpu.memory_space<semaphore_mem>>)
    %add3A_57 = arith.constant 112 : i32
    %add3A_58 = arith.addi %mul3A_2, %add3A_57 : i32
    %dma_start3A_59 = arith.constant 0 : i32
    %dma_start3A_60 = tpu.memref_slice %arg4[%add3A_58, %dma_start3A_59] : memref<8192x1024xf32, #tpu.memory_space<hbm>> -> memref<16x1024xf32, #tpu.memory_space<hbm>>
    %dma_start3A_61 = arith.constant 0 : i32
    %dma_start3A_62 = tpu.memref_slice %arg4[%add3A_58, %dma_start3A_61] : memref<8192x1024xf32, #tpu.memory_space<hbm>> -> memref<16x1024xf32, #tpu.memory_space<hbm>>
    tpu.enqueue_dma source(%arg9 : memref<16x1024xf32, #tpu.memory_space<vmem>>) target(%dma_start3A_62 : memref<16x1024xf32, #tpu.memory_space<hbm>>) target_semaphore(%arg17 : memref<!tpu.dma_semaphore, #tpu.memory_space<semaphore_mem>>)
    %add3A_63 = arith.constant 128 : i32
    %add3A_64 = arith.addi %mul3A_2, %add3A_63 : i32
    %dma_start3A_65 = arith.constant 0 : i32
    %dma_start3A_66 = tpu.memref_slice %arg4[%add3A_64, %dma_start3A_65] : memref<8192x1024xf32, #tpu.memory_space<hbm>> -> memref<16x1024xf32, #tpu.memory_space<hbm>>
    %dma_start3A_67 = arith.constant 0 : i32
    %dma_start3A_68 = tpu.memref_slice %arg4[%add3A_64, %dma_start3A_67] : memref<8192x1024xf32, #tpu.memory_space<hbm>> -> memref<16x1024xf32, #tpu.memory_space<hbm>>
    tpu.enqueue_dma source(%arg6 : memref<16x1024xf32, #tpu.memory_space<vmem>>) target(%dma_start3A_68 : memref<16x1024xf32, #tpu.memory_space<hbm>>) target_semaphore(%arg14 : memref<!tpu.dma_semaphore, #tpu.memory_space<semaphore_mem>>)
    %add3A_69 = arith.constant 144 : i32
    %add3A_70 = arith.addi %mul3A_2, %add3A_69 : i32
    %dma_start3A_71 = arith.constant 0 : i32
    %dma_start3A_72 = tpu.memref_slice %arg4[%add3A_70, %dma_start3A_71] : memref<8192x1024xf32, #tpu.memory_space<hbm>> -> memref<16x1024xf32, #tpu.memory_space<hbm>>
    %dma_start3A_73 = arith.constant 0 : i32
    %dma_start3A_74 = tpu.memref_slice %arg4[%add3A_70, %dma_start3A_73] : memref<8192x1024xf32, #tpu.memory_space<hbm>> -> memref<16x1024xf32, #tpu.memory_space<hbm>>
    tpu.enqueue_dma source(%arg7 : memref<16x1024xf32, #tpu.memory_space<vmem>>) target(%dma_start3A_74 : memref<16x1024xf32, #tpu.memory_space<hbm>>) target_semaphore(%arg15 : memref<!tpu.dma_semaphore, #tpu.memory_space<semaphore_mem>>)
    %add3A_75 = arith.constant 160 : i32
    %add3A_76 = arith.addi %mul3A_2, %add3A_75 : i32
    %dma_start3A_77 = arith.constant 0 : i32
    %dma_start3A_78 = tpu.memref_slice %arg4[%add3A_76, %dma_start3A_77] : memref<8192x1024xf32, #tpu.memory_space<hbm>> -> memref<16x1024xf32, #tpu.memory_space<hbm>>
    %dma_start3A_79 = arith.constant 0 : i32
    %dma_start3A_80 = tpu.memref_slice %arg4[%add3A_76, %dma_start3A_79] : memref<8192x1024xf32, #tpu.memory_space<hbm>> -> memref<16x1024xf32, #tpu.memory_space<hbm>>
    tpu.enqueue_dma source(%arg8 : memref<16x1024xf32, #tpu.memory_space<vmem>>) target(%dma_start3A_80 : memref<16x1024xf32, #tpu.memory_space<hbm>>) target_semaphore(%arg16 : memref<!tpu.dma_semaphore, #tpu.memory_space<semaphore_mem>>)
    %add3A_81 = arith.constant 176 : i32
    %add3A_82 = arith.addi %mul3A_2, %add3A_81 : i32
    %dma_start3A_83 = arith.constant 0 : i32
    %dma_start3A_84 = tpu.memref_slice %arg4[%add3A_82, %dma_start3A_83] : memref<8192x1024xf32, #tpu.memory_space<hbm>> -> memref<16x1024xf32, #tpu.memory_space<hbm>>
    %dma_start3A_85 = arith.constant 0 : i32
    %dma_start3A_86 = tpu.memref_slice %arg4[%add3A_82, %dma_start3A_85] : memref<8192x1024xf32, #tpu.memory_space<hbm>> -> memref<16x1024xf32, #tpu.memory_space<hbm>>
    tpu.enqueue_dma source(%arg9 : memref<16x1024xf32, #tpu.memory_space<vmem>>) target(%dma_start3A_86 : memref<16x1024xf32, #tpu.memory_space<hbm>>) target_semaphore(%arg17 : memref<!tpu.dma_semaphore, #tpu.memory_space<semaphore_mem>>)
    %add3A_87 = arith.constant 192 : i32
    %add3A_88 = arith.addi %mul3A_2, %add3A_87 : i32
    %dma_start3A_89 = arith.constant 0 : i32
    %dma_start3A_90 = tpu.memref_slice %arg4[%add3A_88, %dma_start3A_89] : memref<8192x1024xf32, #tpu.memory_space<hbm>> -> memref<16x1024xf32, #tpu.memory_space<hbm>>
    %dma_start3A_91 = arith.constant 0 : i32
    %dma_start3A_92 = tpu.memref_slice %arg4[%add3A_88, %dma_start3A_91] : memref<8192x1024xf32, #tpu.memory_space<hbm>> -> memref<16x1024xf32, #tpu.memory_space<hbm>>
    tpu.enqueue_dma source(%arg6 : memref<16x1024xf32, #tpu.memory_space<vmem>>) target(%dma_start3A_92 : memref<16x1024xf32, #tpu.memory_space<hbm>>) target_semaphore(%arg14 : memref<!tpu.dma_semaphore, #tpu.memory_space<semaphore_mem>>)
    %add3A_93 = arith.constant 208 : i32
    %add3A_94 = arith.addi %mul3A_2, %add3A_93 : i32
    %dma_start3A_95 = arith.constant 0 : i32
    %dma_start3A_96 = tpu.memref_slice %arg4[%add3A_94, %dma_start3A_95] : memref<8192x1024xf32, #tpu.memory_space<hbm>> -> memref<16x1024xf32, #tpu.memory_space<hbm>>
    %dma_start3A_97 = arith.constant 0 : i32
    %dma_start3A_98 = tpu.memref_slice %arg4[%add3A_94, %dma_start3A_97] : memref<8192x1024xf32, #tpu.memory_space<hbm>> -> memref<16x1024xf32, #tpu.memory_space<hbm>>
    tpu.enqueue_dma source(%arg7 : memref<16x1024xf32, #tpu.memory_space<vmem>>) target(%dma_start3A_98 : memref<16x1024xf32, #tpu.memory_space<hbm>>) target_semaphore(%arg15 : memref<!tpu.dma_semaphore, #tpu.memory_space<semaphore_mem>>)
    %add3A_99 = arith.constant 224 : i32
    %add3A_100 = arith.addi %mul3A_2, %add3A_99 : i32
    %dma_start3A_101 = arith.constant 0 : i32
    %dma_start3A_102 = tpu.memref_slice %arg4[%add3A_100, %dma_start3A_101] : memref<8192x1024xf32, #tpu.memory_space<hbm>> -> memref<16x1024xf32, #tpu.memory_space<hbm>>
    %dma_start3A_103 = arith.constant 0 : i32
    %dma_start3A_104 = tpu.memref_slice %arg4[%add3A_100, %dma_start3A_103] : memref<8192x1024xf32, #tpu.memory_space<hbm>> -> memref<16x1024xf32, #tpu.memory_space<hbm>>
    tpu.enqueue_dma source(%arg8 : memref<16x1024xf32, #tpu.memory_space<vmem>>) target(%dma_start3A_104 : memref<16x1024xf32, #tpu.memory_space<hbm>>) target_semaphore(%arg16 : memref<!tpu.dma_semaphore, #tpu.memory_space<semaphore_mem>>)
    %add3A_105 = arith.constant 240 : i32
    %add3A_106 = arith.addi %mul3A_2, %add3A_105 : i32
    %dma_start3A_107 = arith.constant 0 : i32
    %dma_start3A_108 = tpu.memref_slice %arg4[%add3A_106, %dma_start3A_107] : memref<8192x1024xf32, #tpu.memory_space<hbm>> -> memref<16x1024xf32, #tpu.memory_space<hbm>>
    %dma_start3A_109 = arith.constant 0 : i32
    %dma_start3A_110 = tpu.memref_slice %arg4[%add3A_106, %dma_start3A_109] : memref<8192x1024xf32, #tpu.memory_space<hbm>> -> memref<16x1024xf32, #tpu.memory_space<hbm>>
    tpu.enqueue_dma source(%arg9 : memref<16x1024xf32, #tpu.memory_space<vmem>>) target(%dma_start3A_110 : memref<16x1024xf32, #tpu.memory_space<hbm>>) target_semaphore(%arg17 : memref<!tpu.dma_semaphore, #tpu.memory_space<semaphore_mem>>)
    %dma_wait3A_111 = arith.constant 0 : i32
    %dma_wait3A_112 = tpu.memref_slice %arg4[%add3A_16, %dma_wait3A_111] : memref<8192x1024xf32, #tpu.memory_space<hbm>> -> memref<16x1024xf32, #tpu.memory_space<hbm>>
    %dma_wait3A_113 = arith.constant 0 : i32
    %dma_wait3A_114 = tpu.memref_slice %arg4[%add3A_16, %dma_wait3A_113] : memref<8192x1024xf32, #tpu.memory_space<hbm>> -> memref<16x1024xf32, #tpu.memory_space<hbm>>
    tpu.wait_dma2 semaphore(%arg14 : memref<!tpu.dma_semaphore, #tpu.memory_space<semaphore_mem>>) src(%arg6 : memref<16x1024xf32, #tpu.memory_space<vmem>>) dst(%dma_wait3A_114 : memref<16x1024xf32, #tpu.memory_space<hbm>>)
    %dma_wait3A_115 = arith.constant 0 : i32
    %dma_wait3A_116 = tpu.memref_slice %arg4[%add3A_22, %dma_wait3A_115] : memref<8192x1024xf32, #tpu.memory_space<hbm>> -> memref<16x1024xf32, #tpu.memory_space<hbm>>
    %dma_wait3A_117 = arith.constant 0 : i32
    %dma_wait3A_118 = tpu.memref_slice %arg4[%add3A_22, %dma_wait3A_117] : memref<8192x1024xf32, #tpu.memory_space<hbm>> -> memref<16x1024xf32, #tpu.memory_space<hbm>>
    tpu.wait_dma2 semaphore(%arg15 : memref<!tpu.dma_semaphore, #tpu.memory_space<semaphore_mem>>) src(%arg7 : memref<16x1024xf32, #tpu.memory_space<vmem>>) dst(%dma_wait3A_118 : memref<16x1024xf32, #tpu.memory_space<hbm>>)
    %dma_wait3A_119 = arith.constant 0 : i32
    %dma_wait3A_120 = tpu.memref_slice %arg4[%add3A_28, %dma_wait3A_119] : memref<8192x1024xf32, #tpu.memory_space<hbm>> -> memref<16x1024xf32, #tpu.memory_space<hbm>>
    %dma_wait3A_121 = arith.constant 0 : i32
    %dma_wait3A_122 = tpu.memref_slice %arg4[%add3A_28, %dma_wait3A_121] : memref<8192x1024xf32, #tpu.memory_space<hbm>> -> memref<16x1024xf32, #tpu.memory_space<hbm>>
    tpu.wait_dma2 semaphore(%arg16 : memref<!tpu.dma_semaphore, #tpu.memory_space<semaphore_mem>>) src(%arg8 : memref<16x1024xf32, #tpu.memory_space<vmem>>) dst(%dma_wait3A_122 : memref<16x1024xf32, #tpu.memory_space<hbm>>)
    %dma_wait3A_123 = arith.constant 0 : i32
    %dma_wait3A_124 = tpu.memref_slice %arg4[%add3A_34, %dma_wait3A_123] : memref<8192x1024xf32, #tpu.memory_space<hbm>> -> memref<16x1024xf32, #tpu.memory_space<hbm>>
    %dma_wait3A_125 = arith.constant 0 : i32
    %dma_wait3A_126 = tpu.memref_slice %arg4[%add3A_34, %dma_wait3A_125] : memref<8192x1024xf32, #tpu.memory_space<hbm>> -> memref<16x1024xf32, #tpu.memory_space<hbm>>
    tpu.wait_dma2 semaphore(%arg17 : memref<!tpu.dma_semaphore, #tpu.memory_space<semaphore_mem>>) src(%arg9 : memref<16x1024xf32, #tpu.memory_space<vmem>>) dst(%dma_wait3A_126 : memref<16x1024xf32, #tpu.memory_space<hbm>>)
    %dma_wait3A_127 = arith.constant 0 : i32
    %dma_wait3A_128 = tpu.memref_slice %arg4[%add3A_40, %dma_wait3A_127] : memref<8192x1024xf32, #tpu.memory_space<hbm>> -> memref<16x1024xf32, #tpu.memory_space<hbm>>
    %dma_wait3A_129 = arith.constant 0 : i32
    %dma_wait3A_130 = tpu.memref_slice %arg4[%add3A_40, %dma_wait3A_129] : memref<8192x1024xf32, #tpu.memory_space<hbm>> -> memref<16x1024xf32, #tpu.memory_space<hbm>>
    tpu.wait_dma2 semaphore(%arg14 : memref<!tpu.dma_semaphore, #tpu.memory_space<semaphore_mem>>) src(%arg6 : memref<16x1024xf32, #tpu.memory_space<vmem>>) dst(%dma_wait3A_130 : memref<16x1024xf32, #tpu.memory_space<hbm>>)
    %dma_wait3A_131 = arith.constant 0 : i32
    %dma_wait3A_132 = tpu.memref_slice %arg4[%add3A_46, %dma_wait3A_131] : memref<8192x1024xf32, #tpu.memory_space<hbm>> -> memref<16x1024xf32, #tpu.memory_space<hbm>>
    %dma_wait3A_133 = arith.constant 0 : i32
    %dma_wait3A_134 = tpu.memref_slice %arg4[%add3A_46, %dma_wait3A_133] : memref<8192x1024xf32, #tpu.memory_space<hbm>> -> memref<16x1024xf32, #tpu.memory_space<hbm>>
    tpu.wait_dma2 semaphore(%arg15 : memref<!tpu.dma_semaphore, #tpu.memory_space<semaphore_mem>>) src(%arg7 : memref<16x1024xf32, #tpu.memory_space<vmem>>) dst(%dma_wait3A_134 : memref<16x1024xf32, #tpu.memory_space<hbm>>)
    %dma_wait3A_135 = arith.constant 0 : i32
    %dma_wait3A_136 = tpu.memref_slice %arg4[%add3A_52, %dma_wait3A_135] : memref<8192x1024xf32, #tpu.memory_space<hbm>> -> memref<16x1024xf32, #tpu.memory_space<hbm>>
    %dma_wait3A_137 = arith.constant 0 : i32
    %dma_wait3A_138 = tpu.memref_slice %arg4[%add3A_52, %dma_wait3A_137] : memref<8192x1024xf32, #tpu.memory_space<hbm>> -> memref<16x1024xf32, #tpu.memory_space<hbm>>
    tpu.wait_dma2 semaphore(%arg16 : memref<!tpu.dma_semaphore, #tpu.memory_space<semaphore_mem>>) src(%arg8 : memref<16x1024xf32, #tpu.memory_space<vmem>>) dst(%dma_wait3A_138 : memref<16x1024xf32, #tpu.memory_space<hbm>>)
    %dma_wait3A_139 = arith.constant 0 : i32
    %dma_wait3A_140 = tpu.memref_slice %arg4[%add3A_58, %dma_wait3A_139] : memref<8192x1024xf32, #tpu.memory_space<hbm>> -> memref<16x1024xf32, #tpu.memory_space<hbm>>
    %dma_wait3A_141 = arith.constant 0 : i32
    %dma_wait3A_142 = tpu.memref_slice %arg4[%add3A_58, %dma_wait3A_141] : memref<8192x1024xf32, #tpu.memory_space<hbm>> -> memref<16x1024xf32, #tpu.memory_space<hbm>>
    tpu.wait_dma2 semaphore(%arg17 : memref<!tpu.dma_semaphore, #tpu.memory_space<semaphore_mem>>) src(%arg9 : memref<16x1024xf32, #tpu.memory_space<vmem>>) dst(%dma_wait3A_142 : memref<16x1024xf32, #tpu.memory_space<hbm>>)
    %dma_wait3A_143 = arith.constant 0 : i32
    %dma_wait3A_144 = tpu.memref_slice %arg4[%add3A_64, %dma_wait3A_143] : memref<8192x1024xf32, #tpu.memory_space<hbm>> -> memref<16x1024xf32, #tpu.memory_space<hbm>>
    %dma_wait3A_145 = arith.constant 0 : i32
    %dma_wait3A_146 = tpu.memref_slice %arg4[%add3A_64, %dma_wait3A_145] : memref<8192x1024xf32, #tpu.memory_space<hbm>> -> memref<16x1024xf32, #tpu.memory_space<hbm>>
    tpu.wait_dma2 semaphore(%arg14 : memref<!tpu.dma_semaphore, #tpu.memory_space<semaphore_mem>>) src(%arg6 : memref<16x1024xf32, #tpu.memory_space<vmem>>) dst(%dma_wait3A_146 : memref<16x1024xf32, #tpu.memory_space<hbm>>)
    %dma_wait3A_147 = arith.constant 0 : i32
    %dma_wait3A_148 = tpu.memref_slice %arg4[%add3A_70, %dma_wait3A_147] : memref<8192x1024xf32, #tpu.memory_space<hbm>> -> memref<16x1024xf32, #tpu.memory_space<hbm>>
    %dma_wait3A_149 = arith.constant 0 : i32
    %dma_wait3A_150 = tpu.memref_slice %arg4[%add3A_70, %dma_wait3A_149] : memref<8192x1024xf32, #tpu.memory_space<hbm>> -> memref<16x1024xf32, #tpu.memory_space<hbm>>
    tpu.wait_dma2 semaphore(%arg15 : memref<!tpu.dma_semaphore, #tpu.memory_space<semaphore_mem>>) src(%arg7 : memref<16x1024xf32, #tpu.memory_space<vmem>>) dst(%dma_wait3A_150 : memref<16x1024xf32, #tpu.memory_space<hbm>>)
    %dma_wait3A_151 = arith.constant 0 : i32
    %dma_wait3A_152 = tpu.memref_slice %arg4[%add3A_76, %dma_wait3A_151] : memref<8192x1024xf32, #tpu.memory_space<hbm>> -> memref<16x1024xf32, #tpu.memory_space<hbm>>
    %dma_wait3A_153 = arith.constant 0 : i32
    %dma_wait3A_154 = tpu.memref_slice %arg4[%add3A_76, %dma_wait3A_153] : memref<8192x1024xf32, #tpu.memory_space<hbm>> -> memref<16x1024xf32, #tpu.memory_space<hbm>>
    tpu.wait_dma2 semaphore(%arg16 : memref<!tpu.dma_semaphore, #tpu.memory_space<semaphore_mem>>) src(%arg8 : memref<16x1024xf32, #tpu.memory_space<vmem>>) dst(%dma_wait3A_154 : memref<16x1024xf32, #tpu.memory_space<hbm>>)
    %dma_wait3A_155 = arith.constant 0 : i32
    %dma_wait3A_156 = tpu.memref_slice %arg4[%add3A_82, %dma_wait3A_155] : memref<8192x1024xf32, #tpu.memory_space<hbm>> -> memref<16x1024xf32, #tpu.memory_space<hbm>>
    %dma_wait3A_157 = arith.constant 0 : i32
    %dma_wait3A_158 = tpu.memref_slice %arg4[%add3A_82, %dma_wait3A_157] : memref<8192x1024xf32, #tpu.memory_space<hbm>> -> memref<16x1024xf32, #tpu.memory_space<hbm>>
    tpu.wait_dma2 semaphore(%arg17 : memref<!tpu.dma_semaphore, #tpu.memory_space<semaphore_mem>>) src(%arg9 : memref<16x1024xf32, #tpu.memory_space<vmem>>) dst(%dma_wait3A_158 : memref<16x1024xf32, #tpu.memory_space<hbm>>)
    %dma_wait3A_159 = arith.constant 0 : i32
    %dma_wait3A_160 = tpu.memref_slice %arg4[%add3A_88, %dma_wait3A_159] : memref<8192x1024xf32, #tpu.memory_space<hbm>> -> memref<16x1024xf32, #tpu.memory_space<hbm>>
    %dma_wait3A_161 = arith.constant 0 : i32
    %dma_wait3A_162 = tpu.memref_slice %arg4[%add3A_88, %dma_wait3A_161] : memref<8192x1024xf32, #tpu.memory_space<hbm>> -> memref<16x1024xf32, #tpu.memory_space<hbm>>
    tpu.wait_dma2 semaphore(%arg14 : memref<!tpu.dma_semaphore, #tpu.memory_space<semaphore_mem>>) src(%arg6 : memref<16x1024xf32, #tpu.memory_space<vmem>>) dst(%dma_wait3A_162 : memref<16x1024xf32, #tpu.memory_space<hbm>>)
    %dma_wait3A_163 = arith.constant 0 : i32
    %dma_wait3A_164 = tpu.memref_slice %arg4[%add3A_94, %dma_wait3A_163] : memref<8192x1024xf32, #tpu.memory_space<hbm>> -> memref<16x1024xf32, #tpu.memory_space<hbm>>
    %dma_wait3A_165 = arith.constant 0 : i32
    %dma_wait3A_166 = tpu.memref_slice %arg4[%add3A_94, %dma_wait3A_165] : memref<8192x1024xf32, #tpu.memory_space<hbm>> -> memref<16x1024xf32, #tpu.memory_space<hbm>>
    tpu.wait_dma2 semaphore(%arg15 : memref<!tpu.dma_semaphore, #tpu.memory_space<semaphore_mem>>) src(%arg7 : memref<16x1024xf32, #tpu.memory_space<vmem>>) dst(%dma_wait3A_166 : memref<16x1024xf32, #tpu.memory_space<hbm>>)
    %dma_wait3A_167 = arith.constant 0 : i32
    %dma_wait3A_168 = tpu.memref_slice %arg4[%add3A_100, %dma_wait3A_167] : memref<8192x1024xf32, #tpu.memory_space<hbm>> -> memref<16x1024xf32, #tpu.memory_space<hbm>>
    %dma_wait3A_169 = arith.constant 0 : i32
    %dma_wait3A_170 = tpu.memref_slice %arg4[%add3A_100, %dma_wait3A_169] : memref<8192x1024xf32, #tpu.memory_space<hbm>> -> memref<16x1024xf32, #tpu.memory_space<hbm>>
    tpu.wait_dma2 semaphore(%arg16 : memref<!tpu.dma_semaphore, #tpu.memory_space<semaphore_mem>>) src(%arg8 : memref<16x1024xf32, #tpu.memory_space<vmem>>) dst(%dma_wait3A_170 : memref<16x1024xf32, #tpu.memory_space<hbm>>)
    %dma_wait3A_171 = arith.constant 0 : i32
    %dma_wait3A_172 = tpu.memref_slice %arg4[%add3A_106, %dma_wait3A_171] : memref<8192x1024xf32, #tpu.memory_space<hbm>> -> memref<16x1024xf32, #tpu.memory_space<hbm>>
    %dma_wait3A_173 = arith.constant 0 : i32
    %dma_wait3A_174 = tpu.memref_slice %arg4[%add3A_106, %dma_wait3A_173] : memref<8192x1024xf32, #tpu.memory_space<hbm>> -> memref<16x1024xf32, #tpu.memory_space<hbm>>
    tpu.wait_dma2 semaphore(%arg17 : memref<!tpu.dma_semaphore, #tpu.memory_space<semaphore_mem>>) src(%arg9 : memref<16x1024xf32, #tpu.memory_space<vmem>>) dst(%dma_wait3A_174 : memref<16x1024xf32, #tpu.memory_space<hbm>>)
    return
  }
}

</mosaic_0001>

<sc_bundles>
// kernel: kernel.3.cloned.1.call-start
scs
__scs_entry_jumppad:
0x0: {  	(pc) =	sbr.rel $0x88, $3  }
0x1: {  	(tag) =	ssettag $0x0;
	lr =	simm.s32 $0x1  }
0x2: {  	[smem:$0x3F9F] =	sst lr;
	_ =	strace $0xD0000000  }
0x3: {  	_ = 	snop  }
0x4: {  	_ = 	snop  }
0x5: {  	_ = 	snop  }
0x6: {  	_ = 	snop  }
0x7: {  	_ = 	snop  }
__scs_overlays_trampoline_lowered:
0x8: {  	[smem:$0x3FAE] =	sst s0  }
0x9: {  	[smem:$0x3FAF] =	sst s1  }
0xa: {  	[smem:$0x3FB0] =	sst s2  }
0xb: {  	[smem:$0x3FB1] =	sst s3  }
0xc: {  	[smem:$0x3FB2] =	sst s4  }
0xd: {  	[smem:$0x3FB3] =	sst s5  }
0xe: {  	[smem:$0x3FB4] =	sst s6  }
0xf: {  	[smem:$0x3FB5] =	sst s7  }
0x10: {  	[smem:$0x3FB6] =	sst s8  }
0x11: {  	[smem:$0x3FB7] =	sst s9;
	s0 =	simm.s32 @!p0 $0x0  }
0x12: {  	s1 =	sld [smem:$0x3F9D];
	s0 =	simm.s32 @p0 $0x1  }
0x13: {  	[smem:$0x3FB8] =	sst s0;
	s0 =	simm.s32 @!p1 $0x0  }
0x14: {  	s2 =	sld [smem:$0x3F9C];
	s0 =	simm.s32 @p1 $0x1  }
0x15: {  	[smem:$0x3FB9] =	sst s0;
	s0 =	simm.s32 @!p2 $0x0  }
0x16: {  	s3 =	sld [smem:$0x3FDB];
	s0 =	simm.s32 @p2 $0x1  }
0x17: {  	s4 =	simm.s32 $0x1BF5;
	[smem:$0x3FBB] =	sst s0  }
0x18: {  	s0 =	sld [smem:$0x3F9E];
	_ =	swait.ge [sflag:s4], $0x0  }
0x19: {  	s7 =	sld [smem:$0x3F9F]  }
0x1a: {  	s8 =	sadd.s32 $0xFFFFE003, lr  }
0x1b: {  	s9 =	sadd.s32 $0xFFFFFEF7, lr;
	s5 =	simm.s32 $0xFFFFFFFF;
	p2 =	slt.u32 s8, $0xFFFFF086  }
0x1c: {  	p1 =	slt.u32 s9, $0xF7A;
	s5 =	simm.s32 @!p2 $0x0  }
0x1d: {  	s5 =	simm.s32 @p1 $0x1;
	p0 =	seq.s32 s7, s2  }
0x1e: {  	s7 =	smul.u32 @!p0 $0xF7A, s2;
	p2 =	seq.s32 @!p0 s5, $0x0  }
0x1f: {  	s9 =	smul.u32 $0xF7A, s1;
	s8 =	simm.s32 @!p0 $0x1BF5;
	p2 =	por !p2, p0  }
0x20: {  	[sflag:s8] =	ssyncset.s32 @!p0 $0xFFFFF086;
	s6 =	sadd.s32 @!p0 s3, s7;
	s7 =	simm.s32 @!p0 $0x108  }
0x21: {  	s3 =	sadd.s32 s3, s9;
	s6 =	sadd.s32 @!p0 $0x88, s6;
	s7 =	simm.s32 @p2 $0x1082  }
0x22: {  	[simem:s7], [sflag:s8] =	dma.local @!p0 [hbm:s6], $0xF7A  }
0x23: {  	s9 =	sor.u32 $0xD0000000, s2;
	s6 =	simm.s32 $0x108;
	_ =	swait.ge @!p0 [sflag:s8], $0x0  }
0x24: {  	s3 =	sadd.s32 $0x88, s3;
	s6 =	simm.s32 @!p1 $0x1082;
	[sflag:s4] =	ssyncset.s32 $0xFFFFF086  }
0x25: {  	[simem:s6], [sflag:s4] =	dma.local [hbm:s3], $0xF7A  }
0x26: {  	[smem:$0x3F9F] =	sst s1;
	(tag) =	ssettag s2;
	_ =	strace s9  }
0x27: {  	s1 =	sld [smem:$0x3FAF]  }
0x28: {  	s2 =	sld [smem:$0x3FB0]  }
0x29: {  	s4 =	sld [smem:$0x3FB2]  }
0x2a: {  	p0 =	seq.s32 s5, $0x0;
	s5 =	sld [smem:$0x3FB3]  }
0x2b: {  	s6 =	sld [smem:$0x3FB4]  }
0x2c: {  	s7 =	sld [smem:$0x3FB5]  }
0x2d: {  	s3 =	simm.s32 $0x108;
	s8 =	sld [smem:$0x3FB6]  }
0x2e: {  	s3 =	simm.s32 @!p0 $0x1082;
	s9 =	sld [smem:$0x3FB7]  }
0x2f: {  	lr =	sadd.s32 s0, s3;
	s0 =	sld [smem:$0x3FAE]  }
0x30: {  	s3 =	sld [smem:$0x3FB1]  }
0x31: {  	[smem:$0x3FBA] =	sst s10  }
0x32: {  	s10 =	sld [smem:$0x3FB8];
	_ =	sdelay $0x3  }
0x33: {  	p0 =	seq.s32 s10, $0x1;
	s10 =	sld [smem:$0x3FBA];
	_ =	sdelay $0x3  }
0x34: {  	[smem:$0x3FBA] =	sst s10  }
0x35: {  	s10 =	sld [smem:$0x3FB9];
	_ =	sdelay $0x3  }
0x36: {  	p1 =	seq.s32 s10, $0x1;
	s10 =	sld [smem:$0x3FBA];
	_ =	sdelay $0x3  }
0x37: {  	[smem:$0x3FBA] =	sst s10  }
0x38: {  	s10 =	sld [smem:$0x3FBB]  }
0x39: {  	_ = 	snop;
	(pc) =	sbr.ind lr, $3  }
0x3a: {  	_ = 	snop  }
0x3b: {  	_ = 	snop  }
0x3c: {  	p2 =	seq.s32 s10, $0x1;
	s10 =	sld [smem:$0x3FBA]  }
0x3d: {  	_ =	shalt  }
0x3e: {  	_ =	shalt  }
0x3f: {  	_ =	shalt  }
0x40: {  	_ =	shalt  }
0x41: {  	_ =	shalt  }
0x42: {  	_ =	shalt  }
0x43: {  	_ =	shalt  }
0x44: {  	_ =	shalt  }
0x45: {  	_ =	shalt  }
0x46: {  	_ =	shalt  }
0x47: {  	_ =	shalt  }
0x48: {  	_ =	shalt  }
0x49: {  	_ =	shalt  }
0x4a: {  	_ =	shalt  }
0x4b: {  	_ =	shalt  }
0x4c: {  	_ =	shalt  }
0x4d: {  	_ =	shalt  }
0x4e: {  	_ =	shalt  }
0x4f: {  	_ =	shalt  }
0x50: {  	_ =	shalt  }
0x51: {  	_ =	shalt  }
0x52: {  	_ =	shalt  }
0x53: {  	_ =	shalt  }
0x54: {  	_ =	shalt  }
0x55: {  	_ =	shalt  }
0x56: {  	_ =	shalt  }
0x57: {  	_ =	shalt  }
0x58: {  	_ =	shalt  }
0x59: {  	_ =	shalt  }
0x5a: {  	_ =	shalt  }
0x5b: {  	_ =	shalt  }
0x5c: {  	_ =	shalt  }
0x5d: {  	_ =	shalt  }
0x5e: {  	_ =	shalt  }
0x5f: {  	_ =	shalt  }
0x60: {  	_ =	shalt  }
0x61: {  	_ =	shalt  }
0x62: {  	_ =	shalt  }
0x63: {  	_ =	shalt  }
0x64: {  	_ =	shalt  }
0x65: {  	_ =	shalt  }
0x66: {  	_ =	shalt  }
0x67: {  	_ =	shalt  }
0x68: {  	_ =	shalt  }
0x69: {  	_ =	shalt  }
0x6a: {  	_ =	shalt  }
0x6b: {  	_ =	shalt  }
0x6c: {  	_ =	shalt  }
0x6d: {  	_ =	shalt  }
0x6e: {  	_ =	shalt  }
0x6f: {  	_ =	shalt  }
0x70: {  	_ =	shalt  }
0x71: {  	_ =	shalt  }
0x72: {  	_ =	shalt  }
0x73: {  	_ =	shalt  }
0x74: {  	_ =	shalt  }
0x75: {  	_ =	shalt  }
0x76: {  	_ =	shalt  }
0x77: {  	_ =	shalt  }
0x78: {  	_ =	shalt  }
0x79: {  	_ =	shalt  }
0x7a: {  	_ =	shalt  }
0x7b: {  	_ =	shalt  }
0x7c: {  	_ =	shalt  }
0x7d: {  	_ =	shalt  }
0x7e: {  	_ =	shalt  }
0x7f: {  	_ =	shalt  }
0x80: {  	_ =	shalt  }
0x81: {  	_ =	shalt  }
0x82: {  	_ =	shalt  }
0x83: {  	_ =	shalt  }
0x84: {  	_ =	shalt  }
0x85: {  	_ =	shalt  }
0x86: {  	_ =	shalt  }
0x87: {  	_ =	shalt  }
.Lfunc_end0:
.L_simem_size_0:
called_computation_lowered:
.L_overlay_start_0:
0x88: {  	s2 =	sld [smem:$0x3FD9]  }
0x89: {  	s3 =	sld [smem:$0x3FFE];
	_ =	sdelay $0x1  }
0x8a: {  	s1 =	srdreg.scid  }
0x8b: {  	s0 =	sand.u32 $0x1, s1  }
0x8c: {  	s17 =	sshll.u32 s0, $0xA;
	s2 =	sadd.s32 s3, s2  }
0x8d: {  	s2 =	sadd.s32 s2, s17  }
0x8e: {  	[smem:$0x3FC6] =	sst s2  }
0x8f: {  	_ = 	snop  }
0x90: {  	s2 =	sld [smem:$0x3FC8]  }
0x91: {  	s18 =	sld [smem:$0x3FD0];
	(tm) =	ssettm $0x1  }
0x92: {  	s4 =	sld [smem:$0x3FFB];
	_ =	sdelay $0x3  }
0x93: {  	_ =	strace s4  }
0x94: {  	s4 =	sld [smem:$0x3FFC];
	_ =	sdelay $0x3  }
0x95: {  	_ =	strace s4  }
0x96: {  	s4 =	sld [smem:$0x3FFD];
	_ =	sdelay $0x3  }
0x97: {  	_ =	strace s4  }
0x98: {  	_ =	strace $0x8FFFFFFF  }
0x99: {  	s19 =	sld [smem:$0x3FDB];
	_ =	sdelay $0x1  }
0x9a: {  	s5 =	simm.s32 $_scs_section_size  }
0x9b: {  	s6 =	simm.s32 $_size__tile_overlayer_lowered;
	s7 =	simm.s32 $_tile_overlayer_lowered  }
0x9c: {  	s22 =	simm.s32 $0x1BFF;
	s21 =	sshll.u32 s7, $0x1;
	s4 =	sadd.s32 s5, s19  }
0x9d: {  	s8 =	simm.s32 $0x0;
	s20 =	sshll.u32 s6, $0x1;
	s6 =	sadd.s32 s21, s4  }
0x9e: {  	[timem:s8], [sflag:s22] =	dma.local [hbm:s6], s20  }
0x9f: {  	_ =	swait.ge [sflag:s22], s20  }
0xa0: {  	s5 =	ssub.s32 $0x0, s20;
	[sflag:s22] =	ssyncset.done $0x0  }
0xa1: {  	[sflag:s22] =	ssyncadd.s32 s5;
	_ =	sdelay $0x1  }
0xa2: {  	s23 =	simm.s32 $0x1B8B  }
0xa3: {  	_ =	swait.ge [sflag:s23], $0x1  }
0xa4: {  	[sflag:s23] =	ssyncset.done $0x0  }
0xa5: {  	s25 =	simm.s32 $0x1B8E;
	s24 =	sld [smem:$0x3FFE];
	[sflag:s23] =	ssyncadd.s32 $0xFFFFFFFF  }
0xa6: {  	s26 =	simm.s32 $execute0_lowered;
	[smem:$0x3FD2] =	sst s25  }
0xa7: {  	s6 =	sshll.u32 s26, $0x1;
	_ =	strace $0x80000046;
	[dreg:$0x1] =	wrdreg $0xFFFFFFFF  }
0xa8: {  	s28 =	simm.s32 $_size_execute0_lowered;
	s4 =	sadd.s32 s4, s6;
	[dreg:$0x0] =	wrdreg $0x0  }
0xa9: {  	s6 =	sshll.u32 s28, $0x1;
	[dreg:$0x2] =	wrdreg s4  }
0xaa: {  	[dreg:$0x3] =	wrdreg s6  }
0xab: {  	[dreg:$0x4] =	wrdreg $0xC0  }
0xac: {  	_ =	task [dreg:s8], $0x5FFFF  }
0xad: {  	[dreg:$0x1] =	wrdreg $0xFFFFFFFF  }
0xae: {  	[dreg:$0x0] =	wrdreg $0x60  }
0xaf: {  	[dreg:$0x2] =	wrdreg s24  }
0xb0: {  	[dreg:$0x3] =	wrdreg s2  }
0xb1: {  	[dreg:$0x4] =	wrdreg s18  }
0xb2: {  	[dreg:$0x5] =	wrdreg $0x9  }
0xb3: {  	_ =	task.clear_ibuf [dreg:s8], $0x6FFFF;
	_ =	strace $0x90000046  }
0xb4: {  	s29 =	simm.s32 $0x9;
	_ =	strace $0x80000048  }
0xb5: {  	_ =	swait.ge [sflag:s29], $0x1  }
0xb6: {  	[sflag:s29] =	ssyncadd.s32 $0xFFFFFFFF  }
0xb7: {  	_ =	strace $0x90000048  }
0xb8: {  	_ =	sfence  }
0xb9: {  	s30 =	sld [smem:$0x0];
	_ =	sdelay $0x2  }
0xba: {  	s31 =	sshll.u32 s1, $0xD;
	s1 =	sshrl.u32 s1, $0x2  }
0xbb: {  	s3 =	sand.u32 $0x4000, s31;
	s1 =	sadd.s32 s1, s30  }
0xbc: {  	s0 =	sor.u32 s3, s0;
	s1 =	sshll.u32 s1, $0x11  }
0xbd: {  	s0 =	sor.u32 s1, s0  }
0xbe: {  	s0 =	sadd.s32 $0x8F2B, s0  }
0xbf: {  	[sflag:s0] =	ssyncadd.remote.s32 $0x1  }
0xc0: {  	_ =	sfence.sel $0xFFFF  }
0xc1: {  	[dreg:$0x0] =	wrdreg $0xFFFFFFFF;
	(pc) =	sbr.abs _section_cstart, $3  }
0xc2: {  	[dreg:$0x1] =	wrdreg $0xFFFFFFFF  }
0xc3: {  	_ =	task.clear_ibuf [dreg:s8], $0x2FFFF;
	_ =	strace $0x9FFFFFFF  }
0xc4: {  	(tm) =	ssettm $0x7FFFFFFF  }
0xc5: {  	_ =	shalt  }
tec
execute0_lowered:
.L_overlay_start_1:
0x0: {  	(tag) =	ssettag $0x1  }
0x1: {  	s0 =	rddreg [dreg:$0x0]  }
0x2: {  	s1 =	srdreg.scid;
	s7 =	rddreg [dreg:$0x1]  }
0x3: {  	s23 =	stileid.u32;
	s3 =	rddreg [dreg:$0x2]  }
0x4: {  	s31 =	simm.s32 $0x6;
	s30 =	simm.s32 $0x1000;
	s24 =	simm.s32 $0x2000  }
0x5: {  	s25 =	simm.s32 $0x2800;
	s26 =	simm.s32 $0x3000;
	s28 =	simm.s32 $0x3800  }
0x6: {  	s29 =	simm.s32 $0x4000;
	s22 =	simm.s32 $0x1;
	p0 =	por $0x0, $0x0  }
0x7: {  	s1 =	sand.u32 $0x1, s1;
	s2 =	sshll.u32 s23, $0x1;
	s17 =	sadd.s32 $0x100, s7  }
0x8: {  	s19 =	sadd.s32 $0x200, s7;
	s21 =	sadd.s32 $0x300, s7;
	s4 =	sor.u32 s1, s2  }
0x9: {  	s2 =	simm.s32 $0x0;
	s1 =	ssub.s32 $0x2, s1;
	s5 =	sshll.u32 s4, $0x8  }
0xa: {  	[smem:$0x7FF] =	sst s2;
	s4 =	sshll.u32 s4, $0xF;
	s0 =	sadd.s32 s5, s0  }
0xb: {  	s13 =	sshrl.u32 s1, $0x1;
	s8 =	sadd.s32 s3, s4;
	s0 =	sadd.s32 $0x400, s0  }
0xc: {  	_ =	strace $0x80000047;
	s6 =	sadd.s32 $0x800, s8;
	[dreg:$0x4] =	wrdreg s0  }
0xd: {  	s1 =	ssub.s32 s1, s13;
	s9 =	sadd.s32 $0x1000, s8;
	[dreg:$0x5] =	wrdreg s6  }
0xe: {  	s4 =	simm.s32 $0x3;
	s10 =	sadd.s32 $0x1800, s8;
	[dreg:$0x6] =	wrdreg s9  }
0xf: {  	s5 =	simm.s32 $0x4;
	s11 =	sadd.s32 $0x2000, s8;
	[dreg:$0x7] =	wrdreg s10  }
0x10: {  	s3 =	simm.s32 $0x5;
	s12 =	sadd.s32 $0x2800, s8;
	[dreg:$0x8] =	wrdreg s11  }
0x11: {  	s14 =	sadd.s32 $0x3000, s8;
	s15 =	sadd.s32 $0x3800, s8;
	[dreg:$0x9] =	wrdreg s12  }
0x12: {  	s16 =	sadd.s32 $0x4000, s8;
	s18 =	sadd.s32 $0x4800, s8;
	[dreg:$0xa] =	wrdreg s14  }
0x13: {  	s13 =	sadd.s32 $0x7000, s8;
	s20 =	smax.u32 s1, $0x1;
	[dreg:$0xb] =	wrdreg s15  }
0x14: {  	s1 =	simm.s32 $0x1800;
	[dreg:$0xc] =	wrdreg s16;
	p1 =	sne.s32 s20, $0x1  }
.Ltmp0:
0x15: {  	[dreg:$0xd] =	wrdreg s18;
	s9 =	sadd.s32 $0x5000, s8;
	(pc) =	sbr.rel @!p1 .LBB2_5-.Ltmp0, $4  }
0x16: {  	s10 =	sadd.s32 $0x5800, s8;
	s11 =	sadd.s32 $0x6000, s8;
	s12 =	sadd.s32 $0x6800, s8  }
0x17: {  	v2 =	vlaneseq.u32;
	s14 =	sadd.s32 $0x7800, s8;
	s15 =	simm.s32 $0x800;
	s0 =	sadd.s32 $0xFFFFFFFF, s20  }
0x18: {  	vm0 =	vmmov $0xffff;
	v1 =	vshrl.u32 v2, $0x3;
	s16 =	simm.s32 $0x4800;
	s18 =	simm.s32 $0x8800;
	[dreg:$0xe] =	wrdreg s0  }
0x19: {  	v0 =	vand.u32 $0x7, v2;
	v2 =	vor.u32 $0x8, v2;
	v1 =	vmul.u32 $0x8, v1;
	s20 =	simm.s32 $0xC800;
	s6 =	simm.s32 $0x2;
	s0 =	rddreg [dreg:$0x4]  }
0x1a: {  	[tilespmem:s2], [sflag:$0x6] =	stream.linear.gather [hbm4b:s0+s2], $0x800, $0x38;
	[tilespmem:$0x10800] =	vst v63  }
0x1b: {  	_ =	swait.ge [sflag:s31], $0x800  }
0x1c: {  	[sflag:s31] =	ssyncset.done $0x0  }
0x1d: {  	[sflag:s31] =	ssyncadd.s32 $0xFFFFF800  }
0x1e: {  	v3 =	vld [tilespmem:$0x0];
	_ =	sdelay $0x4  }
0x1f: {  	v4 =	vshll.u32 v3, $0x3  }
0x20: {  	v3 =	vand.u32 $0x7, v3;
	v4 =	vand.u32 $0xFFFFFFC0, v4  }
0x21: {  	v3 =	vor.u32 v3, v4  }
0x22: {  	v4 =	vperm.xlane v3, v0;
	_ =	sdelay $0x1  }
0x23: {  	v4 =	vadd.s32 v1, v4;
	_ =	sdelay $0x4  }
0x24: {  	[tilespmem:s15], [sflag:$0x1] =	stream.indirect_vreg.gather [hbm4b:s7+s2], $0x80, v4, vm0, $0xb8;
	[tilespmem:$0x10800] =	vst v63  }
0x25: {  	v3 =	vperm.xlane v3, v2  }
0x26: {  	[tilespmem:s30], [sflag:$0x1] =	stream.indirect_vreg.gather [hbm4b:s17+s2], $0x80, v4, vm0, $0xb8;
	[tilespmem:$0x10800] =	vst v63  }
0x27: {  	v3 =	vadd.s32 v1, v3  }
0x28: {  	[tilespmem:s1], [sflag:$0x1] =	stream.indirect_vreg.gather [hbm4b:s19+s2], $0x80, v4, vm0, $0xb8;
	[tilespmem:$0x10800] =	vst v63  }
0x29: {  	_ = 	snop  }
0x2a: {  	[tilespmem:s24], [sflag:$0x1] =	stream.indirect_vreg.gather [hbm4b:s21+s2], $0x80, v4, vm0, $0xb8;
	[tilespmem:$0x10800] =	vst v63  }
0x2b: {  	_ = 	snop  }
0x2c: {  	[tilespmem:s25], [sflag:$0x1] =	stream.indirect_vreg.gather [hbm4b:s7+s2], $0x80, v3, vm0, $0xb8;
	[tilespmem:$0x10800] =	vst v63  }
0x2d: {  	_ = 	snop  }
0x2e: {  	[tilespmem:s26], [sflag:$0x1] =	stream.indirect_vreg.gather [hbm4b:s17+s2], $0x80, v3, vm0, $0xb8;
	[tilespmem:$0x10800] =	vst v63  }
0x2f: {  	_ = 	snop  }
0x30: {  	[tilespmem:s28], [sflag:$0x1] =	stream.indirect_vreg.gather [hbm4b:s19+s2], $0x80, v3, vm0, $0xb8;
	[tilespmem:$0x10800] =	vst v63  }
0x31: {  	_ = 	snop  }
0x32: {  	[tilespmem:s29], [sflag:$0x1] =	stream.indirect_vreg.gather [hbm4b:s21+s2], $0x80, v3, vm0, $0xb8;
	[tilespmem:$0x10800] =	vst v63  }
0x33: {  	_ =	swait.ge [sflag:s22], $0x4000  }
0x34: {  	[sflag:s22] =	ssyncset.done $0x0  }
0x35: {  	[sflag:s22] =	ssyncadd.s32 $0xFFFFC000  }
0x36: {  	[hbm4b:s8+s2] =	stream.linear.scatter [tilespmem:s15], [sflag:$0x2], $0x4000, $0x38;
	[tilespmem:$0x10800] =	vst v63  }
0x37: {  	s23 =	rddreg [dreg:$0x5]  }
0x38: {  	[hbm4b:s23+s2] =	stream.linear.scatter [tilespmem:s16], [sflag:$0x3], $0x4000, $0x38;
	[tilespmem:$0x10800] =	vst v63  }
0x39: {  	s1 =	rddreg [dreg:$0x6]  }
0x3a: {  	[hbm4b:s1+s2] =	stream.linear.scatter [tilespmem:s18], [sflag:$0x4], $0x4000, $0x38;
	[tilespmem:$0x10800] =	vst v63  }
0x3b: {  	s23 =	rddreg [dreg:$0x7]  }
0x3c: {  	[hbm4b:s23+s2] =	stream.linear.scatter [tilespmem:s20], [sflag:$0x5], $0x4000, $0x38;
	[tilespmem:$0x10800] =	vst v63  }
0x3d: {  	s1 =	rddreg [dreg:$0x8]  }
0x3e: {  	[hbm4b:s1+s2] =	stream.linear.scatter [tilespmem:s15], [sflag:$0x2], $0x4000, $0x38;
	[tilespmem:$0x10800] =	vst v63  }
0x3f: {  	s23 =	rddreg [dreg:$0x9]  }
0x40: {  	[hbm4b:s23+s2] =	stream.linear.scatter [tilespmem:s16], [sflag:$0x3], $0x4000, $0x38;
	[tilespmem:$0x10800] =	vst v63  }
0x41: {  	s1 =	rddreg [dreg:$0xa]  }
0x42: {  	[hbm4b:s1+s2] =	stream.linear.scatter [tilespmem:s18], [sflag:$0x4], $0x4000, $0x38;
	[tilespmem:$0x10800] =	vst v63  }
0x43: {  	s23 =	rddreg [dreg:$0xb]  }
0x44: {  	[hbm4b:s23+s2] =	stream.linear.scatter [tilespmem:s20], [sflag:$0x5], $0x4000, $0x38;
	[tilespmem:$0x10800] =	vst v63  }
0x45: {  	s1 =	rddreg [dreg:$0xc]  }
0x46: {  	[hbm4b:s1+s2] =	stream.linear.scatter [tilespmem:s15], [sflag:$0x2], $0x4000, $0x38;
	[tilespmem:$0x10800] =	vst v63  }
0x47: {  	s23 =	rddreg [dreg:$0xd]  }
0x48: {  	[hbm4b:s23+s2] =	stream.linear.scatter [tilespmem:s16], [sflag:$0x3], $0x4000, $0x38;
	[tilespmem:$0x10800] =	vst v63  }
0x49: {  	_ = 	snop  }
0x4a: {  	[hbm4b:s9+s2] =	stream.linear.scatter [tilespmem:s18], [sflag:$0x4], $0x4000, $0x38;
	[tilespmem:$0x10800] =	vst v63  }
0x4b: {  	_ = 	snop  }
0x4c: {  	[hbm4b:s10+s2] =	stream.linear.scatter [tilespmem:s20], [sflag:$0x5], $0x4000, $0x38;
	[tilespmem:$0x10800] =	vst v63  }
0x4d: {  	_ = 	snop  }
0x4e: {  	[hbm4b:s11+s2] =	stream.linear.scatter [tilespmem:s15], [sflag:$0x2], $0x4000, $0x38;
	[tilespmem:$0x10800] =	vst v63  }
0x4f: {  	_ = 	snop  }
0x50: {  	[hbm4b:s12+s2] =	stream.linear.scatter [tilespmem:s16], [sflag:$0x3], $0x4000, $0x38;
	[tilespmem:$0x10800] =	vst v63  }
0x51: {  	_ = 	snop  }
0x52: {  	[hbm4b:s13+s2] =	stream.linear.scatter [tilespmem:s18], [sflag:$0x4], $0x4000, $0x38;
	[tilespmem:$0x10800] =	vst v63  }
0x53: {  	_ = 	snop  }
0x54: {  	[hbm4b:s14+s2] =	stream.linear.scatter [tilespmem:s20], [sflag:$0x5], $0x4000, $0x38;
	[tilespmem:$0x10800] =	vst v63  }
0x55: {  	_ =	swait.ge [sflag:s6], $0x4000  }
0x56: {  	[sflag:s6] =	ssyncset.done $0x0  }
0x57: {  	[sflag:s6] =	ssyncadd.s32 $0xFFFFC000  }
0x58: {  	_ =	swait.ge [sflag:s4], $0x4000  }
0x59: {  	[sflag:s4] =	ssyncset.done $0x0  }
0x5a: {  	[sflag:s4] =	ssyncadd.s32 $0xFFFFC000  }
0x5b: {  	_ =	swait.ge [sflag:s5], $0x4000  }
0x5c: {  	[sflag:s5] =	ssyncset.done $0x0  }
0x5d: {  	[sflag:s5] =	ssyncadd.s32 $0xFFFFC000  }
0x5e: {  	_ =	swait.ge [sflag:s3], $0x4000  }
0x5f: {  	[sflag:s3] =	ssyncset.done $0x0  }
0x60: {  	[sflag:s3] =	ssyncadd.s32 $0xFFFFC000  }
0x61: {  	_ =	swait.ge [sflag:s6], $0x4000  }
0x62: {  	[sflag:s6] =	ssyncset.done $0x0  }
0x63: {  	[sflag:s6] =	ssyncadd.s32 $0xFFFFC000  }
0x64: {  	_ =	swait.ge [sflag:s4], $0x4000  }
0x65: {  	[sflag:s4] =	ssyncset.done $0x0  }
0x66: {  	[sflag:s4] =	ssyncadd.s32 $0xFFFFC000  }
0x67: {  	_ =	swait.ge [sflag:s5], $0x4000  }
0x68: {  	[sflag:s5] =	ssyncset.done $0x0  }
0x69: {  	[sflag:s5] =	ssyncadd.s32 $0xFFFFC000  }
0x6a: {  	_ =	swait.ge [sflag:s3], $0x4000  }
0x6b: {  	[sflag:s3] =	ssyncset.done $0x0  }
0x6c: {  	[sflag:s3] =	ssyncadd.s32 $0xFFFFC000  }
0x6d: {  	_ =	swait.ge [sflag:s6], $0x4000  }
0x6e: {  	[sflag:s6] =	ssyncset.done $0x0  }
0x6f: {  	[sflag:s6] =	ssyncadd.s32 $0xFFFFC000  }
0x70: {  	_ =	swait.ge [sflag:s4], $0x4000  }
0x71: {  	[sflag:s4] =	ssyncset.done $0x0  }
0x72: {  	[sflag:s4] =	ssyncadd.s32 $0xFFFFC000  }
0x73: {  	_ =	swait.ge [sflag:s5], $0x4000  }
0x74: {  	[sflag:s5] =	ssyncset.done $0x0  }
0x75: {  	[sflag:s5] =	ssyncadd.s32 $0xFFFFC000  }
0x76: {  	_ =	swait.ge [sflag:s3], $0x4000  }
0x77: {  	[sflag:s3] =	ssyncset.done $0x0  }
0x78: {  	[sflag:s3] =	ssyncadd.s32 $0xFFFFC000  }
0x79: {  	_ =	swait.ge [sflag:s6], $0x4000  }
0x7a: {  	[sflag:s6] =	ssyncset.done $0x0  }
0x7b: {  	[sflag:s6] =	ssyncadd.s32 $0xFFFFC000  }
0x7c: {  	_ =	swait.ge [sflag:s4], $0x4000  }
0x7d: {  	[sflag:s4] =	ssyncset.done $0x0  }
0x7e: {  	[sflag:s4] =	ssyncadd.s32 $0xFFFFC000  }
0x7f: {  	_ =	swait.ge [sflag:s5], $0x4000  }
0x80: {  	s23 =	rddreg [dreg:$0xe]  }
0x81: {  	p1 =	sne.s32 s23, $0x1  }
.Ltmp1:
0x82: {  	p0 =	por $0x1, $0x1;
	(pc) =	sbr.rel @!p1 .LBB2_2-.Ltmp1, $4  }
0x83: {  	s30 =	simm.s32 $0x4000;
	s24 =	simm.s32 $0x1800;
	[sflag:s5] =	ssyncset.done $0x0  }
0x84: {  	s25 =	simm.s32 $0x1000;
	s26 =	simm.s32 $0x2800;
	[sflag:s5] =	ssyncadd.s32 $0xFFFFC000  }
0x85: {  	s28 =	simm.s32 $0x3000;
	s29 =	simm.s32 $0x3800;
	_ =	swait.ge [sflag:s3], $0x4000  }
0x86: {  	s1 =	sadd.s32 $0xFFFFFFFF, s23;
	s0 =	rddreg [dreg:$0x4];
	[sflag:s3] =	ssyncset.done $0x0  }
.LBB2_3:
0x87: {  	[sflag:s3] =	ssyncadd.s32 $0xFFFFC000  }
0x88: {  	[tilespmem:s2], [sflag:$0x6] =	stream.linear.gather [hbm4b:s0+s2], $0x800, $0x38;
	[tilespmem:$0x10800] =	vst v63  }
0x89: {  	_ =	swait.ge [sflag:s31], $0x800  }
0x8a: {  	[sflag:s31] =	ssyncset.done $0x0  }
0x8b: {  	[sflag:s31] =	ssyncadd.s32 $0xFFFFF800  }
0x8c: {  	v3 =	vld [tilespmem:$0x0];
	_ =	sdelay $0x4  }
0x8d: {  	v4 =	vshll.u32 v3, $0x3  }
0x8e: {  	v3 =	vand.u32 $0x7, v3;
	v4 =	vand.u32 $0xFFFFFFC0, v4  }
0x8f: {  	v3 =	vor.u32 v3, v4  }
0x90: {  	v4 =	vperm.xlane v3, v0;
	_ =	sdelay $0x1  }
0x91: {  	v4 =	vadd.s32 v1, v4;
	_ =	sdelay $0x4  }
0x92: {  	[tilespmem:s15], [sflag:$0x1] =	stream.indirect_vreg.gather [hbm4b:s7+s2], $0x80, v4, vm0, $0xb8;
	[tilespmem:$0x10800] =	vst v63  }
0x93: {  	v3 =	vperm.xlane v3, v2  }
0x94: {  	[tilespmem:s25], [sflag:$0x1] =	stream.indirect_vreg.gather [hbm4b:s17+s2], $0x80, v4, vm0, $0xb8;
	[tilespmem:$0x10800] =	vst v63  }
0x95: {  	v3 =	vadd.s32 v1, v3  }
0x96: {  	[tilespmem:s24], [sflag:$0x1] =	stream.indirect_vreg.gather [hbm4b:s19+s2], $0x80, v4, vm0, $0xb8;
	[tilespmem:$0x10800] =	vst v63  }
0x97: {  	s23 =	simm.s32 $0x2000  }
0x98: {  	[tilespmem:s23], [sflag:$0x1] =	stream.indirect_vreg.gather [hbm4b:s21+s2], $0x80, v4, vm0, $0xb8;
	[tilespmem:$0x10800] =	vst v63  }
0x99: {  	_ = 	snop  }
0x9a: {  	[tilespmem:s26], [sflag:$0x1] =	stream.indirect_vreg.gather [hbm4b:s7+s2], $0x80, v3, vm0, $0xb8;
	[tilespmem:$0x10800] =	vst v63  }
0x9b: {  	_ = 	snop  }
0x9c: {  	[tilespmem:s28], [sflag:$0x1] =	stream.indirect_vreg.gather [hbm4b:s17+s2], $0x80, v3, vm0, $0xb8;
	[tilespmem:$0x10800] =	vst v63  }
0x9d: {  	_ = 	snop  }
0x9e: {  	[tilespmem:s29], [sflag:$0x1] =	stream.indirect_vreg.gather [hbm4b:s19+s2], $0x80, v3, vm0, $0xb8;
	[tilespmem:$0x10800] =	vst v63  }
0x9f: {  	_ = 	snop  }
0xa0: {  	[tilespmem:s30], [sflag:$0x1] =	stream.indirect_vreg.gather [hbm4b:s21+s2], $0x80, v3, vm0, $0xb8;
	[tilespmem:$0x10800] =	vst v63  }
0xa1: {  	_ =	swait.ge [sflag:s22], $0x4000  }
0xa2: {  	[sflag:s22] =	ssyncset.done $0x0  }
0xa3: {  	[sflag:s22] =	ssyncadd.s32 $0xFFFFC000  }
0xa4: {  	[hbm4b:s8+s2] =	stream.linear.scatter [tilespmem:s15], [sflag:$0x2], $0x4000, $0x38;
	[tilespmem:$0x10800] =	vst v63  }
0xa5: {  	s0 =	rddreg [dreg:$0x5]  }
0xa6: {  	[hbm4b:s0+s2] =	stream.linear.scatter [tilespmem:s16], [sflag:$0x3], $0x4000, $0x38;
	[tilespmem:$0x10800] =	vst v63  }
0xa7: {  	s23 =	rddreg [dreg:$0x6]  }
0xa8: {  	[hbm4b:s23+s2] =	stream.linear.scatter [tilespmem:s18], [sflag:$0x4], $0x4000, $0x38;
	[tilespmem:$0x10800] =	vst v63  }
0xa9: {  	s0 =	rddreg [dreg:$0x7]  }
0xaa: {  	[hbm4b:s0+s2] =	stream.linear.scatter [tilespmem:s20], [sflag:$0x5], $0x4000, $0x38;
	[tilespmem:$0x10800] =	vst v63  }
0xab: {  	s23 =	rddreg [dreg:$0x8]  }
0xac: {  	[hbm4b:s23+s2] =	stream.linear.scatter [tilespmem:s15], [sflag:$0x2], $0x4000, $0x38;
	[tilespmem:$0x10800] =	vst v63  }
0xad: {  	s0 =	rddreg [dreg:$0x9]  }
0xae: {  	[hbm4b:s0+s2] =	stream.linear.scatter [tilespmem:s16], [sflag:$0x3], $0x4000, $0x38;
	[tilespmem:$0x10800] =	vst v63  }
0xaf: {  	s23 =	rddreg [dreg:$0xa]  }
0xb0: {  	[hbm4b:s23+s2] =	stream.linear.scatter [tilespmem:s18], [sflag:$0x4], $0x4000, $0x38;
	[tilespmem:$0x10800] =	vst v63  }
0xb1: {  	s0 =	rddreg [dreg:$0xb]  }
0xb2: {  	[hbm4b:s0+s2] =	stream.linear.scatter [tilespmem:s20], [sflag:$0x5], $0x4000, $0x38;
	[tilespmem:$0x10800] =	vst v63  }
0xb3: {  	s23 =	rddreg [dreg:$0xc]  }
0xb4: {  	[hbm4b:s23+s2] =	stream.linear.scatter [tilespmem:s15], [sflag:$0x2], $0x4000, $0x38;
	[tilespmem:$0x10800] =	vst v63  }
0xb5: {  	s0 =	rddreg [dreg:$0xd]  }
0xb6: {  	[hbm4b:s0+s2] =	stream.linear.scatter [tilespmem:s16], [sflag:$0x3], $0x4000, $0x38;
	[tilespmem:$0x10800] =	vst v63  }
0xb7: {  	_ = 	snop  }
0xb8: {  	[hbm4b:s9+s2] =	stream.linear.scatter [tilespmem:s18], [sflag:$0x4], $0x4000, $0x38;
	[tilespmem:$0x10800] =	vst v63  }
0xb9: {  	_ = 	snop  }
0xba: {  	[hbm4b:s10+s2] =	stream.linear.scatter [tilespmem:s20], [sflag:$0x5], $0x4000, $0x38;
	[tilespmem:$0x10800] =	vst v63  }
0xbb: {  	_ = 	snop  }
0xbc: {  	[hbm4b:s11+s2] =	stream.linear.scatter [tilespmem:s15], [sflag:$0x2], $0x4000, $0x38;
	[tilespmem:$0x10800] =	vst v63  }
0xbd: {  	_ = 	snop  }
0xbe: {  	[hbm4b:s12+s2] =	stream.linear.scatter [tilespmem:s16], [sflag:$0x3], $0x4000, $0x38;
	[tilespmem:$0x10800] =	vst v63  }
0xbf: {  	_ = 	snop  }
0xc0: {  	[hbm4b:s13+s2] =	stream.linear.scatter [tilespmem:s18], [sflag:$0x4], $0x4000, $0x38;
	[tilespmem:$0x10800] =	vst v63  }
0xc1: {  	_ = 	snop  }
0xc2: {  	[hbm4b:s14+s2] =	stream.linear.scatter [tilespmem:s20], [sflag:$0x5], $0x4000, $0x38;
	[tilespmem:$0x10800] =	vst v63  }
0xc3: {  	_ =	swait.ge [sflag:s6], $0x4000  }
0xc4: {  	[sflag:s6] =	ssyncset.done $0x0  }
0xc5: {  	[sflag:s6] =	ssyncadd.s32 $0xFFFFC000  }
0xc6: {  	_ =	swait.ge [sflag:s4], $0x4000  }
0xc7: {  	[sflag:s4] =	ssyncset.done $0x0  }
0xc8: {  	[sflag:s4] =	ssyncadd.s32 $0xFFFFC000  }
0xc9: {  	_ =	swait.ge [sflag:s5], $0x4000  }
0xca: {  	[sflag:s5] =	ssyncset.done $0x0  }
0xcb: {  	[sflag:s5] =	ssyncadd.s32 $0xFFFFC000  }
0xcc: {  	_ =	swait.ge [sflag:s3], $0x4000  }
0xcd: {  	[sflag:s3] =	ssyncset.done $0x0  }
0xce: {  	[sflag:s3] =	ssyncadd.s32 $0xFFFFC000  }
0xcf: {  	_ =	swait.ge [sflag:s6], $0x4000  }
0xd0: {  	[sflag:s6] =	ssyncset.done $0x0  }
0xd1: {  	[sflag:s6] =	ssyncadd.s32 $0xFFFFC000  }
0xd2: {  	_ =	swait.ge [sflag:s4], $0x4000  }
0xd3: {  	[sflag:s4] =	ssyncset.done $0x0  }
0xd4: {  	[sflag:s4] =	ssyncadd.s32 $0xFFFFC000  }
0xd5: {  	_ =	swait.ge [sflag:s5], $0x4000  }
0xd6: {  	[sflag:s5] =	ssyncset.done $0x0  }
0xd7: {  	[sflag:s5] =	ssyncadd.s32 $0xFFFFC000  }
0xd8: {  	_ =	swait.ge [sflag:s3], $0x4000  }
0xd9: {  	[sflag:s3] =	ssyncset.done $0x0  }
0xda: {  	[sflag:s3] =	ssyncadd.s32 $0xFFFFC000  }
0xdb: {  	_ =	swait.ge [sflag:s6], $0x4000  }
0xdc: {  	[sflag:s6] =	ssyncset.done $0x0  }
0xdd: {  	[sflag:s6] =	ssyncadd.s32 $0xFFFFC000  }
0xde: {  	_ =	swait.ge [sflag:s4], $0x4000  }
0xdf: {  	[sflag:s4] =	ssyncset.done $0x0  }
0xe0: {  	[sflag:s4] =	ssyncadd.s32 $0xFFFFC000  }
0xe1: {  	_ =	swait.ge [sflag:s5], $0x4000  }
0xe2: {  	[sflag:s5] =	ssyncset.done $0x0  }
0xe3: {  	[sflag:s5] =	ssyncadd.s32 $0xFFFFC000  }
0xe4: {  	_ =	swait.ge [sflag:s3], $0x4000  }
0xe5: {  	[sflag:s3] =	ssyncset.done $0x0  }
0xe6: {  	[sflag:s3] =	ssyncadd.s32 $0xFFFFC000  }
0xe7: {  	_ =	swait.ge [sflag:s6], $0x4000  }
0xe8: {  	[sflag:s6] =	ssyncset.done $0x0  }
0xe9: {  	[sflag:s6] =	ssyncadd.s32 $0xFFFFC000  }
0xea: {  	_ =	swait.ge [sflag:s4], $0x4000  }
0xeb: {  	[sflag:s4] =	ssyncset.done $0x0  }
0xec: {  	p1 =	sne.s32 s1, $0x1;
	[sflag:s4] =	ssyncadd.s32 $0xFFFFC000  }
.Ltmp2:
0xed: {  	_ =	swait.ge [sflag:s5], $0x4000;
	(pc) =	sbr.rel @p1 .LBB2_3-.Ltmp2, $4  }
0xee: {  	[sflag:s5] =	ssyncset.done $0x0  }
0xef: {  	[sflag:s5] =	ssyncadd.s32 $0xFFFFC000  }
0xf0: {  	_ =	swait.ge [sflag:s3], $0x4000  }
0xf1: {  	s1 =	sadd.s32 $0xFFFFFFFF, s1;
	s0 =	rddreg [dreg:$0x4];
	[sflag:s3] =	ssyncset.done $0x0  }
0xf2: {  	s23 =	stileid.u32;
	s1 =	simm.s32 $0x1800  }
0xf3: {  	s24 =	simm.s32 $0x2000;
	s25 =	simm.s32 $0x2800;
	s26 =	simm.s32 $0x3000  }
0xf4: {  	s28 =	simm.s32 $0x3800;
	s29 =	simm.s32 $0x4000;
	s30 =	simm.s32 $0x1000  }
.LBB2_5:
0xf5: {  	[sflag:s3] =	ssyncadd.s32 @p0 $0xFFFFC000  }
0xf6: {  	[tilespmem:s2], [sflag:$0x6] =	stream.linear.gather [hbm4b:s0+s2], $0x800, $0x38;
	[tilespmem:$0x10800] =	vst v63  }
0xf7: {  	_ =	swait.ge [sflag:s31], $0x800  }
0xf8: {  	[sflag:s31] =	ssyncset.done $0x0  }
0xf9: {  	[sflag:s31] =	ssyncadd.s32 $0xFFFFF800  }
0xfa: {  	v3 =	vld [tilespmem:$0x0];
	_ =	sdelay $0x4  }
0xfb: {  	v4 =	vshll.u32 v3, $0x3  }
0xfc: {  	v3 =	vand.u32 $0x7, v3;
	v4 =	vand.u32 $0xFFFFFFC0, v4  }
0xfd: {  	v3 =	vor.u32 v3, v4  }
0xfe: {  	v0 =	vperm.xlane v3, v0;
	_ =	sdelay $0x1  }
0xff: {  	v0 =	vadd.s32 v1, v0;
	_ =	sdelay $0x4  }
0x100: {  	[tilespmem:s15], [sflag:$0x1] =	stream.indirect_vreg.gather [hbm4b:s7+s2], $0x80, v0, vm0, $0xb8;
	[tilespmem:$0x10800] =	vst v63  }
0x101: {  	v2 =	vperm.xlane v3, v2  }
0x102: {  	[tilespmem:s30], [sflag:$0x1] =	stream.indirect_vreg.gather [hbm4b:s17+s2], $0x80, v0, vm0, $0xb8;
	[tilespmem:$0x10800] =	vst v63  }
0x103: {  	v63 =	vadd.s32 v1, v2  }
0x104: {  	[tilespmem:s1], [sflag:$0x1] =	stream.indirect_vreg.gather [hbm4b:s19+s2], $0x80, v0, vm0, $0xb8;
	[tilespmem:$0x10800] =	vst v63  }
0x105: {  	_ = 	snop  }
0x106: {  	[tilespmem:s24], [sflag:$0x1] =	stream.indirect_vreg.gather [hbm4b:s21+s2], $0x80, v0, vm0, $0xb8;
	[tilespmem:$0x10800] =	vst v63  }
0x107: {  	_ = 	snop  }
0x108: {  	[tilespmem:s25], [sflag:$0x1] =	stream.indirect_vreg.gather [hbm4b:s7+s2], $0x80, v63, vm0, $0xb8;
	[tilespmem:$0x10800] =	vst v63  }
0x109: {  	_ = 	snop  }
0x10a: {  	[tilespmem:s26], [sflag:$0x1] =	stream.indirect_vreg.gather [hbm4b:s17+s2], $0x80, v63, vm0, $0xb8;
	[tilespmem:$0x10800] =	vst v63  }
0x10b: {  	_ = 	snop  }
0x10c: {  	[tilespmem:s28], [sflag:$0x1] =	stream.indirect_vreg.gather [hbm4b:s19+s2], $0x80, v63, vm0, $0xb8;
	[tilespmem:$0x10800] =	vst v63  }
0x10d: {  	_ = 	snop  }
0x10e: {  	[tilespmem:s29], [sflag:$0x1] =	stream.indirect_vreg.gather [hbm4b:s21+s2], $0x80, v63, vm0, $0xb8;
	[tilespmem:$0x10800] =	vst v63  }
0x10f: {  	_ =	swait.ge [sflag:s22], $0x4000  }
0x110: {  	[sflag:s22] =	ssyncset.done $0x0  }
0x111: {  	[sflag:s22] =	ssyncadd.s32 $0xFFFFC000  }
0x112: {  	[hbm4b:s8+s2] =	stream.linear.scatter [tilespmem:s15], [sflag:$0x2], $0x4000, $0x38;
	[tilespmem:$0x10800] =	vst v63  }
0x113: {  	s21 =	rddreg [dreg:$0x5]  }
0x114: {  	[hbm4b:s21+s2] =	stream.linear.scatter [tilespmem:s16], [sflag:$0x3], $0x4000, $0x38;
	[tilespmem:$0x10800] =	vst v63  }
0x115: {  	s22 =	rddreg [dreg:$0x6]  }
0x116: {  	[hbm4b:s22+s2] =	stream.linear.scatter [tilespmem:s18], [sflag:$0x4], $0x4000, $0x38;
	[tilespmem:$0x10800] =	vst v63  }
0x117: {  	s24 =	rddreg [dreg:$0x7]  }
0x118: {  	[hbm4b:s24+s2] =	stream.linear.scatter [tilespmem:s20], [sflag:$0x5], $0x4000, $0x38;
	[tilespmem:$0x10800] =	vst v63  }
0x119: {  	s25 =	rddreg [dreg:$0x8]  }
0x11a: {  	[hbm4b:s25+s2] =	stream.linear.scatter [tilespmem:s15], [sflag:$0x2], $0x4000, $0x38;
	[tilespmem:$0x10800] =	vst v63  }
0x11b: {  	s26 =	rddreg [dreg:$0x9]  }
0x11c: {  	[hbm4b:s26+s2] =	stream.linear.scatter [tilespmem:s16], [sflag:$0x3], $0x4000, $0x38;
	[tilespmem:$0x10800] =	vst v63  }
0x11d: {  	s28 =	rddreg [dreg:$0xa]  }
0x11e: {  	[hbm4b:s28+s2] =	stream.linear.scatter [tilespmem:s18], [sflag:$0x4], $0x4000, $0x38;
	[tilespmem:$0x10800] =	vst v63  }
0x11f: {  	s29 =	rddreg [dreg:$0xb]  }
0x120: {  	[hbm4b:s29+s2] =	stream.linear.scatter [tilespmem:s20], [sflag:$0x5], $0x4000, $0x38;
	[tilespmem:$0x10800] =	vst v63  }
0x121: {  	s30 =	rddreg [dreg:$0xc]  }
0x122: {  	[hbm4b:s30+s2] =	stream.linear.scatter [tilespmem:s15], [sflag:$0x2], $0x4000, $0x38;
	[tilespmem:$0x10800] =	vst v63  }
0x123: {  	s31 =	rddreg [dreg:$0xd]  }
0x124: {  	[hbm4b:s31+s2] =	stream.linear.scatter [tilespmem:s16], [sflag:$0x3], $0x4000, $0x38;
	[tilespmem:$0x10800] =	vst v63  }
0x125: {  	_ = 	snop  }
0x126: {  	[hbm4b:s9+s2] =	stream.linear.scatter [tilespmem:s18], [sflag:$0x4], $0x4000, $0x38;
	[tilespmem:$0x10800] =	vst v63  }
0x127: {  	_ = 	snop  }
0x128: {  	[hbm4b:s10+s2] =	stream.linear.scatter [tilespmem:s20], [sflag:$0x5], $0x4000, $0x38;
	[tilespmem:$0x10800] =	vst v63  }
0x129: {  	_ = 	snop  }
0x12a: {  	[hbm4b:s11+s2] =	stream.linear.scatter [tilespmem:s15], [sflag:$0x2], $0x4000, $0x38;
	[tilespmem:$0x10800] =	vst v63  }
0x12b: {  	_ = 	snop  }
0x12c: {  	[hbm4b:s12+s2] =	stream.linear.scatter [tilespmem:s16], [sflag:$0x3], $0x4000, $0x38;
	[tilespmem:$0x10800] =	vst v63  }
0x12d: {  	_ = 	snop  }
0x12e: {  	[hbm4b:s13+s2] =	stream.linear.scatter [tilespmem:s18], [sflag:$0x4], $0x4000, $0x38;
	[tilespmem:$0x10800] =	vst v63  }
0x12f: {  	_ = 	snop  }
0x130: {  	[hbm4b:s14+s2] =	stream.linear.scatter [tilespmem:s20], [sflag:$0x5], $0x4000, $0x38;
	[tilespmem:$0x10800] =	vst v63  }
0x131: {  	_ =	swait.ge [sflag:s6], $0x4000  }
0x132: {  	[sflag:s6] =	ssyncset.done $0x0  }
0x133: {  	[sflag:s6] =	ssyncadd.s32 $0xFFFFC000  }
0x134: {  	_ =	swait.ge [sflag:s4], $0x4000  }
0x135: {  	[sflag:s4] =	ssyncset.done $0x0  }
0x136: {  	[sflag:s4] =	ssyncadd.s32 $0xFFFFC000  }
0x137: {  	_ =	swait.ge [sflag:s5], $0x4000  }
0x138: {  	[sflag:s5] =	ssyncset.done $0x0  }
0x139: {  	[sflag:s5] =	ssyncadd.s32 $0xFFFFC000  }
0x13a: {  	_ =	swait.ge [sflag:s3], $0x4000  }
0x13b: {  	[sflag:s3] =	ssyncset.done $0x0  }
0x13c: {  	[sflag:s3] =	ssyncadd.s32 $0xFFFFC000  }
0x13d: {  	_ =	swait.ge [sflag:s6], $0x4000  }
0x13e: {  	[sflag:s6] =	ssyncset.done $0x0  }
0x13f: {  	[sflag:s6] =	ssyncadd.s32 $0xFFFFC000  }
0x140: {  	_ =	swait.ge [sflag:s4], $0x4000  }
0x141: {  	[sflag:s4] =	ssyncset.done $0x0  }
0x142: {  	[sflag:s4] =	ssyncadd.s32 $0xFFFFC000  }
0x143: {  	_ =	swait.ge [sflag:s5], $0x4000  }
0x144: {  	[sflag:s5] =	ssyncset.done $0x0  }
0x145: {  	[sflag:s5] =	ssyncadd.s32 $0xFFFFC000  }
0x146: {  	_ =	swait.ge [sflag:s3], $0x4000  }
0x147: {  	[sflag:s3] =	ssyncset.done $0x0  }
0x148: {  	[sflag:s3] =	ssyncadd.s32 $0xFFFFC000  }
0x149: {  	_ =	swait.ge [sflag:s6], $0x4000  }
0x14a: {  	[sflag:s6] =	ssyncset.done $0x0  }
0x14b: {  	[sflag:s6] =	ssyncadd.s32 $0xFFFFC000  }
0x14c: {  	_ =	swait.ge [sflag:s4], $0x4000  }
0x14d: {  	[sflag:s4] =	ssyncset.done $0x0  }
0x14e: {  	[sflag:s4] =	ssyncadd.s32 $0xFFFFC000  }
0x14f: {  	_ =	swait.ge [sflag:s5], $0x4000  }
0x150: {  	[sflag:s5] =	ssyncset.done $0x0  }
0x151: {  	[sflag:s5] =	ssyncadd.s32 $0xFFFFC000  }
0x152: {  	_ =	swait.ge [sflag:s3], $0x4000  }
0x153: {  	[sflag:s3] =	ssyncset.done $0x0  }
0x154: {  	[sflag:s3] =	ssyncadd.s32 $0xFFFFC000  }
0x155: {  	_ =	swait.ge [sflag:s6], $0x4000  }
0x156: {  	[sflag:s6] =	ssyncset.done $0x0  }
0x157: {  	[sflag:s6] =	ssyncadd.s32 $0xFFFFC000  }
0x158: {  	_ =	swait.ge [sflag:s4], $0x4000  }
0x159: {  	[sflag:s4] =	ssyncset.done $0x0  }
0x15a: {  	[sflag:s4] =	ssyncadd.s32 $0xFFFFC000  }
0x15b: {  	_ =	swait.ge [sflag:s5], $0x4000  }
0x15c: {  	[sflag:s5] =	ssyncset.done $0x0  }
0x15d: {  	[sflag:s5] =	ssyncadd.s32 $0xFFFFC000  }
0x15e: {  	_ =	swait.ge [sflag:s3], $0x4000  }
0x15f: {  	[sflag:s3] =	ssyncset.done $0x0  }
0x160: {  	[sflag:s3] =	ssyncadd.s32 $0xFFFFC000  }
0x161: {  	_ =	sfence.sel $0x180000  }
0x162: {  	[bflag:$0x0] =	sbarrier.arrive $0xFFFF  }
0x163: {  	_ =	strace $0x90000047  }
0x164: {  	[bflag:$0x2] =	sbarrier.arrive $0xFFFF  }
0x165: {  	p0 =	sne.s32 s23, $0x0;
	s0 =	rddreg [dreg:$0x3]  }
0x166: {  	s0 =	sadd.s32 @!p0 $0x100000, s0  }
0x167: {  	[sflag:s0] =	ssyncadd.tile.s32 @!p0 $0x1;
	_ =	shalt  }
.LBB2_2:
.Ltmp3:
0x168: {  	(pc) =	sbr.rel .LBB2_5-.Ltmp3, $4  }
0x169: {  	_ = 	snop  }
0x16a: {  	s23 =	stileid.u32;
	s1 =	simm.s32 $0x1800  }
0x16b: {  	s24 =	simm.s32 $0x2000;
	s25 =	simm.s32 $0x2800;
	s26 =	simm.s32 $0x3000  }
0x16c: {  	s28 =	simm.s32 $0x3800;
	s29 =	simm.s32 $0x4000;
	s30 =	simm.s32 $0x1000  }
.Lfunc_end2:
_tile_overlayer_lowered:
.L_overlay_start_2:
0x16d: {  	(tag) =	ssettag $0x2  }
0x16e: {  	s0 =	rddreg [dreg:$0x0];
	s2 =	stileid.u32  }
0x16f: {  	s1 =	rddreg [dreg:$0x1];
	p0 =	sne.s32 s2, $0x0  }
0x170: {  	s3 =	rddreg [dreg:$0x2];
	[bflag:$0x3] =	sbarrier.arrive $0xFFFF;
	s2 =	simm.s32 @!p0 $0x1C06  }
0x171: {  	[timem:s3], [sflag:s2] =	dma.local @!p0 [hbm:s0], s1  }
0x172: {  	s0 =	simm.s32 @!p0 $0x6  }
0x173: {  	_ =	swait.ge @!p0 [sflag:s0], s1  }
0x174: {  	s1 =	ssub.s32 @!p0 $0x0, s1;
	[sflag:s0] =	ssyncset.done @!p0 $0x0  }
0x175: {  	[sflag:s0] =	ssyncadd.s32 @!p0 s1  }
0x176: {  	[bflag:$0x3] =	sbarrier.arrive $0xFFFF  }
0x177: {  	_ =	shalt  }

</sc_bundles>
